<compile_context>
chip_gen: v7x
topology: tpu7x:2x2x1
jax: 0.10.2.dev20260603
libtpu: 0.0.44.dev20260713+nightly
codegen_flags: <defaults>
</compile_context>

<pallas_src>
import functools

import jax
import jax.numpy as jnp
from jax import lax
from jax.experimental import pallas as pl
from jax.experimental.pallas import tpu as pltpu
from jax.experimental.pallas import tpu_sc as plsc

_LANES = 16
_NDEP = 8
_HALF = 8
_D = 256
_W = 128
_MAXNORM = 1.0 - 1e-5
_MARGIN = 0.001


def _newton_sqrt(s):
    i = lax.bitcast_convert_type(s, jnp.int32)
    i = jnp.int32(0x5F3759DF) - lax.shift_right_arithmetic(i, 1)
    y = lax.bitcast_convert_type(i, jnp.float32)
    for _ in range(4):
        y = y * (1.5 - 0.5 * s * y * y)
    return s * y


@functools.partial(
    pl.kernel,
    out_type=jax.ShapeDtypeStruct((_LANES,), jnp.float32),
    mesh=plsc.VectorSubcoreMesh(core_axis_name="c", subcore_axis_name="s",
                                num_cores=1),
    scratch_types=[
        pltpu.VMEM((_HALF,), jnp.int32),
        pltpu.VMEM((_HALF, _D), jnp.float32),
        pltpu.VMEM((_W,), jnp.float32),
        pltpu.VMEM((_NDEP, _W), jnp.float32),
        pltpu.VMEM_SHARED((_NDEP, _W), jnp.float32),
        pltpu.VMEM_SHARED((_NDEP, _W), jnp.float32),
        pltpu.SemaphoreType.DMA,
    ],
    compiler_params=pltpu.CompilerParams(needs_layout_passes=False),
)
def _dqml_sc(emb_hbm, idx_hbm, out_hbm, idx_v, rows_v, res_v, comb_v,
             shared, shared_b, sem):
    s = lax.axis_index("s")
    d = s & (_NDEP - 1)
    h = lax.shift_right_logical(s, 3)
    lanes = lax.iota(jnp.int32, _LANES)

    pltpu.sync_copy(idx_hbm.at[d, pl.ds(h * _HALF, _HALF)], idx_v)
    pltpu.async_copy(emb_hbm.at[idx_v], rows_v, sem).wait()

    ssq = jnp.zeros((_LANES,), jnp.float32)
    for r in range(_HALF):
        acc = jnp.zeros((_LANES,), jnp.float32)
        for j in range(_D // _LANES):
            v = rows_v[r, pl.ds(j * _LANES, _LANES)]
            acc = acc + v * v
        sr = jnp.sum(acc)
        ssq = jnp.where(lanes == r, jnp.broadcast_to(sr, (_LANES,)), ssq)

    radii = jnp.minimum(_newton_sqrt(ssq), _MAXNORM)
    res_v[pl.ds(0, _LANES)] = radii

    @pl.when(h == 1)
    def _publish_half():
        pltpu.sync_copy(res_v.at[pl.ds(0, _HALF)],
                        shared_b.at[d, pl.ds(0, _HALF)])

    plsc.subcore_barrier()

    @pl.when(h == 0)
    def _sort_depth():
        pltpu.sync_copy(shared_b.at[d, pl.ds(0, _HALF)],
                        res_v.at[pl.ds(_HALF, _HALF)])
        srt = lax.sort(res_v[pl.ds(0, _LANES)])
        hi2 = jnp.sum(jnp.where((lanes == 13) | (lanes == 14), srt, 0.0))
        lo2 = jnp.sum(jnp.where((lanes == 1) | (lanes == 2), srt, 0.0))
        res = jnp.where(
            lanes == 0,
            jnp.broadcast_to(hi2, (_LANES,)) * 0.5,
            jnp.where(lanes == 1, jnp.broadcast_to(lo2, (_LANES,)) * 0.5,
                      0.0),
        )
        res_v[pl.ds(0, _LANES)] = res
        pltpu.sync_copy(res_v.at[pl.ds(0, _LANES)],
                        shared.at[d, pl.ds(0, _LANES)])

    plsc.subcore_barrier()

    @pl.when(s == 0)
    def _combine():
        pltpu.sync_copy(shared, comb_v)
        highs = plsc.load_gather(
            comb_v, [lanes & (_NDEP - 1), jnp.zeros((_LANES,), jnp.int32)])
        lows_next = plsc.load_gather(
            comb_v, [jnp.minimum(lanes + 1, _NDEP - 1),
                     jnp.ones((_LANES,), jnp.int32)])
        lossv = jnp.maximum(highs + _MARGIN - lows_next, 0.0)
        lossv = jnp.where(lanes < _NDEP - 1, lossv, 0.0)
        tot = jnp.sum(lossv)
        res_v[pl.ds(0, _LANES)] = jnp.broadcast_to(tot, (_LANES,)) / (
            _NDEP - 1.0)
        pltpu.sync_copy(res_v.at[pl.ds(0, _LANES)], out_hbm)


def kernel(embeddings, depth_indices):
    out = _dqml_sc(embeddings, depth_indices)
    return out[0]

# --- scband reference (transcript-rebuilt; emitter-appended) ---
"""Pipeline reference for scband-depth-quantile-margin-loss-37074157699121 (READ-ONLY COPY).

The authoritative reference and input builder live on the scoring server;
editing this copy changes nothing except your own understanding.
"""

import jax, jax.numpy as jnp
import numpy as np


def project_to_ball(x, eps=1e-5):
    # Project embeddings into the unit (Poincare) ball: clip norms to 1 - eps.
    norm = jnp.linalg.norm(x, axis=-1, keepdims=True)
    maxnorm = 1.0 - eps
    safe_norm = jnp.maximum(norm, eps)
    return jnp.where(norm > maxnorm, x / safe_norm * maxnorm, x)


def setup_inputs(seed: int = 0) -> dict:
    key = jax.random.key(seed)
    embeddings = jax.random.normal(key, (100000, 256), dtype=jnp.float32)
    # Matches init_kwargs: node_id i has depth i // 16, for i in [0, 128).
    # depth_tensors[d] = indices [16*d, 16*d + 15], depths 0..7 sorted.
    depth_indices = jnp.arange(128, dtype=jnp.int32).reshape(8, 16)
    return {"embeddings": embeddings, "depth_indices": depth_indices}


def reference(embeddings, depth_indices):
    margin = 0.001
    projected = project_to_ball(embeddings)
    radii = jnp.linalg.norm(projected, axis=-1)
    n_depths = depth_indices.shape[0]
    losses = []
    for d in range(n_depths - 1):
        left = jnp.take(radii, depth_indices[d], axis=0)
        right = jnp.take(radii, depth_indices[d + 1], axis=0)
        left_high = jnp.quantile(left, 0.9)
        right_low = jnp.quantile(right, 0.1)
        losses.append(jax.nn.relu(left_high + margin - right_low))
    return jnp.stack(losses).mean()

if __name__ == "__main__":
    import jax
    _d = setup_inputs()
    print(jax.jit(kernel)(*tuple(_d.values())))

</pallas_src>

<mosaic_0001>
#map = affine_map<(d0, d1) -> (0, 0)>
#map1 = affine_map<(d0, d1) -> (0)>
module attributes {stable_mosaic.version = 14 : i64} {
  func.func @_dqml_sc(%arg0: i32, %arg1: i32, %arg2: memref<100000x256xf32, #tpu.memory_space<hbm>>, %arg3: memref<8x16xi32, #tpu.memory_space<hbm>>, %arg4: memref<16xf32, #tpu.memory_space<hbm>>, %arg5: memref<8xi32, #tpu.memory_space<vmem>>, %arg6: memref<8x256xf32, #tpu.memory_space<vmem>>, %arg7: memref<128xf32, #tpu.memory_space<vmem>>, %arg8: memref<8x128xf32, #tpu.memory_space<vmem>>, %arg9: memref<8x128xf32, #tpu.memory_space<vmem_shared>>, %arg10: memref<8x128xf32, #tpu.memory_space<vmem_shared>>, %arg11: memref<!tpu.dma_semaphore, #tpu.memory_space<semaphore_mem>>) attributes {dimension_semantics = [#tpu.dimension_semantics<core_parallel>, #tpu.dimension_semantics<subcore_parallel>], iteration_bounds = array<i64: 1, 16>, scalar_prefetch = 0 : i64, scratch_operands = 7 : i64, tpu.core_type = #tpu.core_type<sc_vector_subcore>, window_params = [{transform_indices = #map}, {transform_indices = #map}, {transform_indices = #map1}]} {
    %and3A = arith.constant 7 : i32
    %and3A_0 = arith.andi %arg1, %and3A : i32
    %shift_right_logical3A = arith.constant 3 : i32
    %shift_right_logical3A_1 = arith.shrui %arg1, %shift_right_logical3A : i32
    %iota3A = tpu.iota {dimensions = array<i32: 0>} : vector<16xi32>
    %mul3A = arith.constant 8 : i32
    %mul3A_2 = arith.muli %shift_right_logical3A_1, %mul3A : i32
    "tpu.region"() ({
      %run_scoped3A = tpu.sem_alloc : memref<!tpu.dma_semaphore, #tpu.memory_space<semaphore_mem>>
      %dma_start3A_918 = tpu.memref_slice %arg3[%and3A_0, %mul3A_2] : memref<8x16xi32, #tpu.memory_space<hbm>> -> memref<1x8xi32, #tpu.memory_space<hbm>>
      %dma_start3A_919 = tpu.memref_squeeze %dma_start3A_918 : memref<1x8xi32, #tpu.memory_space<hbm>> -> memref<8xi32, #tpu.memory_space<hbm>>
      %dma_start3A_920 = tpu.memref_slice %arg3[%and3A_0, %mul3A_2] : memref<8x16xi32, #tpu.memory_space<hbm>> -> memref<1x8xi32, #tpu.memory_space<hbm>>
      %dma_start3A_921 = tpu.memref_squeeze %dma_start3A_920 : memref<1x8xi32, #tpu.memory_space<hbm>> -> memref<8xi32, #tpu.memory_space<hbm>>
      tpu.enqueue_dma source(%dma_start3A_921 : memref<8xi32, #tpu.memory_space<hbm>>) target(%arg5 : memref<8xi32, #tpu.memory_space<vmem>>) target_semaphore(%run_scoped3A : memref<!tpu.dma_semaphore, #tpu.memory_space<semaphore_mem>>)
      %dma_wait3A_922 = tpu.memref_slice %arg3[%and3A_0, %mul3A_2] : memref<8x16xi32, #tpu.memory_space<hbm>> -> memref<1x8xi32, #tpu.memory_space<hbm>>
      %dma_wait3A_923 = tpu.memref_squeeze %dma_wait3A_922 : memref<1x8xi32, #tpu.memory_space<hbm>> -> memref<8xi32, #tpu.memory_space<hbm>>
      %dma_wait3A_924 = tpu.memref_slice %arg3[%and3A_0, %mul3A_2] : memref<8x16xi32, #tpu.memory_space<hbm>> -> memref<1x8xi32, #tpu.memory_space<hbm>>
      %dma_wait3A_925 = tpu.memref_squeeze %dma_wait3A_924 : memref<1x8xi32, #tpu.memory_space<hbm>> -> memref<8xi32, #tpu.memory_space<hbm>>
      tpu.wait_dma2 semaphore(%run_scoped3A : memref<!tpu.dma_semaphore, #tpu.memory_space<semaphore_mem>>) src(%dma_wait3A_925 : memref<8xi32, #tpu.memory_space<hbm>>) dst(%arg5 : memref<8xi32, #tpu.memory_space<vmem>>)
      tpu.yield
    }) : () -> ()
    %dma_start3A = arith.constant 0 : i32
    %dma_start3A_3 = arith.constant 0 : i32
    %dma_start3A_4 = tpu.memref_slice %arg2[%dma_start3A, %dma_start3A_3] : memref<100000x256xf32, #tpu.memory_space<hbm>> -> memref<100000x256xf32, #tpu.memory_space<hbm>>
    tpu.enqueue_indirect_dma source(%dma_start3A_4 : memref<100000x256xf32, #tpu.memory_space<hbm>>) target(%arg6 : memref<8x256xf32, #tpu.memory_space<vmem>>) offsets(%arg5 : memref<8xi32, #tpu.memory_space<vmem>>) semaphore(%arg11 : memref<!tpu.dma_semaphore, #tpu.memory_space<semaphore_mem>>)
    %dma_wait3A = arith.constant 0 : i32
    %dma_wait3A_5 = arith.constant 0 : i32
    %dma_wait3A_6 = tpu.memref_slice %arg2[%dma_wait3A, %dma_wait3A_5] : memref<100000x256xf32, #tpu.memory_space<hbm>> -> memref<100000x256xf32, #tpu.memory_space<hbm>>
    tpu.wait_indirect_dma semaphore(%arg11 : memref<!tpu.dma_semaphore, #tpu.memory_space<semaphore_mem>>) src(%dma_wait3A_6 : memref<100000x256xf32, #tpu.memory_space<hbm>>) dst(%arg6 : memref<8x256xf32, #tpu.memory_space<vmem>>)
    %broadcast_in_dim3A = arith.constant 0.000000e+00 : f32
    %broadcast_in_dim3A_7 = vector.broadcast %broadcast_in_dim3A : f32 to vector<16xf32>
    %broadcast_in_dim3A_8 = arith.constant 0.000000e+00 : f32
    %broadcast_in_dim3A_9 = vector.broadcast %broadcast_in_dim3A_8 : f32 to vector<16xf32>
    %get3A = arith.constant 0 : i32
    %get3A_10 = arith.index_cast %get3A : i32 to index
    %get3A_11 = arith.constant 0 : index
    %get3A_12 = tpu.vector_load %arg6[%get3A_10, %get3A_11] {strides = array<i32>} : memref<8x256xf32, #tpu.memory_space<vmem>>, vector<16xf32>,
    %mul3A_13 = arith.mulf %get3A_12, %get3A_12 : vector<16xf32>
    %add3A = arith.addf %broadcast_in_dim3A_9, %mul3A_13 : vector<16xf32>
    %get3A_14 = arith.constant 0 : i32
    %get3A_15 = arith.index_cast %get3A_14 : i32 to index
    %get3A_16 = arith.constant 16 : index
    %get3A_17 = tpu.vector_load %arg6[%get3A_15, %get3A_16] {strides = array<i32>} : memref<8x256xf32, #tpu.memory_space<vmem>>, vector<16xf32>,
    %mul3A_18 = arith.mulf %get3A_17, %get3A_17 : vector<16xf32>
    %add3A_19 = arith.addf %add3A, %mul3A_18 : vector<16xf32>
    %get3A_20 = arith.constant 0 : i32
    %get3A_21 = arith.index_cast %get3A_20 : i32 to index
    %get3A_22 = arith.constant 32 : index
    %get3A_23 = tpu.vector_load %arg6[%get3A_21, %get3A_22] {strides = array<i32>} : memref<8x256xf32, #tpu.memory_space<vmem>>, vector<16xf32>,
    %mul3A_24 = arith.mulf %get3A_23, %get3A_23 : vector<16xf32>
    %add3A_25 = arith.addf %add3A_19, %mul3A_24 : vector<16xf32>
    %get3A_26 = arith.constant 0 : i32
    %get3A_27 = arith.index_cast %get3A_26 : i32 to index
    %get3A_28 = arith.constant 48 : index
    %get3A_29 = tpu.vector_load %arg6[%get3A_27, %get3A_28] {strides = array<i32>} : memref<8x256xf32, #tpu.memory_space<vmem>>, vector<16xf32>,
    %mul3A_30 = arith.mulf %get3A_29, %get3A_29 : vector<16xf32>
    %add3A_31 = arith.addf %add3A_25, %mul3A_30 : vector<16xf32>
    %get3A_32 = arith.constant 0 : i32
    %get3A_33 = arith.index_cast %get3A_32 : i32 to index
    %get3A_34 = arith.constant 64 : index
    %get3A_35 = tpu.vector_load %arg6[%get3A_33, %get3A_34] {strides = array<i32>} : memref<8x256xf32, #tpu.memory_space<vmem>>, vector<16xf32>,
    %mul3A_36 = arith.mulf %get3A_35, %get3A_35 : vector<16xf32>
    %add3A_37 = arith.addf %add3A_31, %mul3A_36 : vector<16xf32>
    %get3A_38 = arith.constant 0 : i32
    %get3A_39 = arith.index_cast %get3A_38 : i32 to index
    %get3A_40 = arith.constant 80 : index
    %get3A_41 = tpu.vector_load %arg6[%get3A_39, %get3A_40] {strides = array<i32>} : memref<8x256xf32, #tpu.memory_space<vmem>>, vector<16xf32>,
    %mul3A_42 = arith.mulf %get3A_41, %get3A_41 : vector<16xf32>
    %add3A_43 = arith.addf %add3A_37, %mul3A_42 : vector<16xf32>
    %get3A_44 = arith.constant 0 : i32
    %get3A_45 = arith.index_cast %get3A_44 : i32 to index
    %get3A_46 = arith.constant 96 : index
    %get3A_47 = tpu.vector_load %arg6[%get3A_45, %get3A_46] {strides = array<i32>} : memref<8x256xf32, #tpu.memory_space<vmem>>, vector<16xf32>,
    %mul3A_48 = arith.mulf %get3A_47, %get3A_47 : vector<16xf32>
    %add3A_49 = arith.addf %add3A_43, %mul3A_48 : vector<16xf32>
    %get3A_50 = arith.constant 0 : i32
    %get3A_51 = arith.index_cast %get3A_50 : i32 to index
    %get3A_52 = arith.constant 112 : index
    %get3A_53 = tpu.vector_load %arg6[%get3A_51, %get3A_52] {strides = array<i32>} : memref<8x256xf32, #tpu.memory_space<vmem>>, vector<16xf32>,
    %mul3A_54 = arith.mulf %get3A_53, %get3A_53 : vector<16xf32>
    %add3A_55 = arith.addf %add3A_49, %mul3A_54 : vector<16xf32>
    %get3A_56 = arith.constant 0 : i32
    %get3A_57 = arith.index_cast %get3A_56 : i32 to index
    %get3A_58 = arith.constant 128 : index
    %get3A_59 = tpu.vector_load %arg6[%get3A_57, %get3A_58] {strides = array<i32>} : memref<8x256xf32, #tpu.memory_space<vmem>>, vector<16xf32>,
    %mul3A_60 = arith.mulf %get3A_59, %get3A_59 : vector<16xf32>
    %add3A_61 = arith.addf %add3A_55, %mul3A_60 : vector<16xf32>
    %get3A_62 = arith.constant 0 : i32
    %get3A_63 = arith.index_cast %get3A_62 : i32 to index
    %get3A_64 = arith.constant 144 : index
    %get3A_65 = tpu.vector_load %arg6[%get3A_63, %get3A_64] {strides = array<i32>} : memref<8x256xf32, #tpu.memory_space<vmem>>, vector<16xf32>,
    %mul3A_66 = arith.mulf %get3A_65, %get3A_65 : vector<16xf32>
    %add3A_67 = arith.addf %add3A_61, %mul3A_66 : vector<16xf32>
    %get3A_68 = arith.constant 0 : i32
    %get3A_69 = arith.index_cast %get3A_68 : i32 to index
    %get3A_70 = arith.constant 160 : index
    %get3A_71 = tpu.vector_load %arg6[%get3A_69, %get3A_70] {strides = array<i32>} : memref<8x256xf32, #tpu.memory_space<vmem>>, vector<16xf32>,
    %mul3A_72 = arith.mulf %get3A_71, %get3A_71 : vector<16xf32>
    %add3A_73 = arith.addf %add3A_67, %mul3A_72 : vector<16xf32>
    %get3A_74 = arith.constant 0 : i32
    %get3A_75 = arith.index_cast %get3A_74 : i32 to index
    %get3A_76 = arith.constant 176 : index
    %get3A_77 = tpu.vector_load %arg6[%get3A_75, %get3A_76] {strides = array<i32>} : memref<8x256xf32, #tpu.memory_space<vmem>>, vector<16xf32>,
    %mul3A_78 = arith.mulf %get3A_77, %get3A_77 : vector<16xf32>
    %add3A_79 = arith.addf %add3A_73, %mul3A_78 : vector<16xf32>
    %get3A_80 = arith.constant 0 : i32
    %get3A_81 = arith.index_cast %get3A_80 : i32 to index
    %get3A_82 = arith.constant 192 : index
    %get3A_83 = tpu.vector_load %arg6[%get3A_81, %get3A_82] {strides = array<i32>} : memref<8x256xf32, #tpu.memory_space<vmem>>, vector<16xf32>,
    %mul3A_84 = arith.mulf %get3A_83, %get3A_83 : vector<16xf32>
    %add3A_85 = arith.addf %add3A_79, %mul3A_84 : vector<16xf32>
    %get3A_86 = arith.constant 0 : i32
    %get3A_87 = arith.index_cast %get3A_86 : i32 to index
    %get3A_88 = arith.constant 208 : index
    %get3A_89 = tpu.vector_load %arg6[%get3A_87, %get3A_88] {strides = array<i32>} : memref<8x256xf32, #tpu.memory_space<vmem>>, vector<16xf32>,
    %mul3A_90 = arith.mulf %get3A_89, %get3A_89 : vector<16xf32>
    %add3A_91 = arith.addf %add3A_85, %mul3A_90 : vector<16xf32>
    %get3A_92 = arith.constant 0 : i32
    %get3A_93 = arith.index_cast %get3A_92 : i32 to index
    %get3A_94 = arith.constant 224 : index
    %get3A_95 = tpu.vector_load %arg6[%get3A_93, %get3A_94] {strides = array<i32>} : memref<8x256xf32, #tpu.memory_space<vmem>>, vector<16xf32>,
    %mul3A_96 = arith.mulf %get3A_95, %get3A_95 : vector<16xf32>
    %add3A_97 = arith.addf %add3A_91, %mul3A_96 : vector<16xf32>
    %get3A_98 = arith.constant 0 : i32
    %get3A_99 = arith.index_cast %get3A_98 : i32 to index
    %get3A_100 = arith.constant 240 : index
    %get3A_101 = tpu.vector_load %arg6[%get3A_99, %get3A_100] {strides = array<i32>} : memref<8x256xf32, #tpu.memory_space<vmem>>, vector<16xf32>,
    %mul3A_102 = arith.mulf %get3A_101, %get3A_101 : vector<16xf32>
    %add3A_103 = arith.addf %add3A_97, %mul3A_102 : vector<16xf32>
    %reduce_sum3A = arith.constant true
    %reduce_sum3A_104 = vector.broadcast %reduce_sum3A : i1 to vector<16xi1>
    %reduce_sum3A_105 = tpu.scan <sum>, %add3A_103 masked %reduce_sum3A_104 : vector<16xf32>, vector<16xi1> -> vector<16xf32>
    %reduce_sum3A_106 = vector.extract %reduce_sum3A_105[15] : f32 from vector<16xf32>
    %eq3A = arith.constant 0 : i32
    %eq3A_107 = vector.broadcast %eq3A : i32 to vector<16xi32>
    %eq3A_108 = arith.cmpi eq, %iota3A, %eq3A_107 : vector<16xi32>
    %broadcast_in_dim3A_109 = vector.broadcast %reduce_sum3A_106 : f32 to vector<16xf32>
    %select_n3A = arith.select %eq3A_108, %broadcast_in_dim3A_109, %broadcast_in_dim3A_7 : vector<16xi1>, vector<16xf32>
    %broadcast_in_dim3A_110 = arith.constant 0.000000e+00 : f32
    %broadcast_in_dim3A_111 = vector.broadcast %broadcast_in_dim3A_110 : f32 to vector<16xf32>
    %get3A_112 = arith.constant 1 : i32
    %get3A_113 = arith.index_cast %get3A_112 : i32 to index
    %get3A_114 = arith.constant 0 : index
    %get3A_115 = tpu.vector_load %arg6[%get3A_113, %get3A_114] {strides = array<i32>} : memref<8x256xf32, #tpu.memory_space<vmem>>, vector<16xf32>,
    %mul3A_116 = arith.mulf %get3A_115, %get3A_115 : vector<16xf32>
    %add3A_117 = arith.addf %broadcast_in_dim3A_111, %mul3A_116 : vector<16xf32>
    %get3A_118 = arith.constant 1 : i32
    %get3A_119 = arith.index_cast %get3A_118 : i32 to index
    %get3A_120 = arith.constant 16 : index
    %get3A_121 = tpu.vector_load %arg6[%get3A_119, %get3A_120] {strides = array<i32>} : memref<8x256xf32, #tpu.memory_space<vmem>>, vector<16xf32>,
    %mul3A_122 = arith.mulf %get3A_121, %get3A_121 : vector<16xf32>
    %add3A_123 = arith.addf %add3A_117, %mul3A_122 : vector<16xf32>
    %get3A_124 = arith.constant 1 : i32
    %get3A_125 = arith.index_cast %get3A_124 : i32 to index
    %get3A_126 = arith.constant 32 : index
    %get3A_127 = tpu.vector_load %arg6[%get3A_125, %get3A_126] {strides = array<i32>} : memref<8x256xf32, #tpu.memory_space<vmem>>, vector<16xf32>,
    %mul3A_128 = arith.mulf %get3A_127, %get3A_127 : vector<16xf32>
    %add3A_129 = arith.addf %add3A_123, %mul3A_128 : vector<16xf32>
    %get3A_130 = arith.constant 1 : i32
    %get3A_131 = arith.index_cast %get3A_130 : i32 to index
    %get3A_132 = arith.constant 48 : index
    %get3A_133 = tpu.vector_load %arg6[%get3A_131, %get3A_132] {strides = array<i32>} : memref<8x256xf32, #tpu.memory_space<vmem>>, vector<16xf32>,
    %mul3A_134 = arith.mulf %get3A_133, %get3A_133 : vector<16xf32>
    %add3A_135 = arith.addf %add3A_129, %mul3A_134 : vector<16xf32>
    %get3A_136 = arith.constant 1 : i32
    %get3A_137 = arith.index_cast %get3A_136 : i32 to index
    %get3A_138 = arith.constant 64 : index
    %get3A_139 = tpu.vector_load %arg6[%get3A_137, %get3A_138] {strides = array<i32>} : memref<8x256xf32, #tpu.memory_space<vmem>>, vector<16xf32>,
    %mul3A_140 = arith.mulf %get3A_139, %get3A_139 : vector<16xf32>
    %add3A_141 = arith.addf %add3A_135, %mul3A_140 : vector<16xf32>
    %get3A_142 = arith.constant 1 : i32
    %get3A_143 = arith.index_cast %get3A_142 : i32 to index
    %get3A_144 = arith.constant 80 : index
    %get3A_145 = tpu.vector_load %arg6[%get3A_143, %get3A_144] {strides = array<i32>} : memref<8x256xf32, #tpu.memory_space<vmem>>, vector<16xf32>,
    %mul3A_146 = arith.mulf %get3A_145, %get3A_145 : vector<16xf32>
    %add3A_147 = arith.addf %add3A_141, %mul3A_146 : vector<16xf32>
    %get3A_148 = arith.constant 1 : i32
    %get3A_149 = arith.index_cast %get3A_148 : i32 to index
    %get3A_150 = arith.constant 96 : index
    %get3A_151 = tpu.vector_load %arg6[%get3A_149, %get3A_150] {strides = array<i32>} : memref<8x256xf32, #tpu.memory_space<vmem>>, vector<16xf32>,
    %mul3A_152 = arith.mulf %get3A_151, %get3A_151 : vector<16xf32>
    %add3A_153 = arith.addf %add3A_147, %mul3A_152 : vector<16xf32>
    %get3A_154 = arith.constant 1 : i32
    %get3A_155 = arith.index_cast %get3A_154 : i32 to index
    %get3A_156 = arith.constant 112 : index
    %get3A_157 = tpu.vector_load %arg6[%get3A_155, %get3A_156] {strides = array<i32>} : memref<8x256xf32, #tpu.memory_space<vmem>>, vector<16xf32>,
    %mul3A_158 = arith.mulf %get3A_157, %get3A_157 : vector<16xf32>
    %add3A_159 = arith.addf %add3A_153, %mul3A_158 : vector<16xf32>
    %get3A_160 = arith.constant 1 : i32
    %get3A_161 = arith.index_cast %get3A_160 : i32 to index
    %get3A_162 = arith.constant 128 : index
    %get3A_163 = tpu.vector_load %arg6[%get3A_161, %get3A_162] {strides = array<i32>} : memref<8x256xf32, #tpu.memory_space<vmem>>, vector<16xf32>,
    %mul3A_164 = arith.mulf %get3A_163, %get3A_163 : vector<16xf32>
    %add3A_165 = arith.addf %add3A_159, %mul3A_164 : vector<16xf32>
    %get3A_166 = arith.constant 1 : i32
    %get3A_167 = arith.index_cast %get3A_166 : i32 to index
    %get3A_168 = arith.constant 144 : index
    %get3A_169 = tpu.vector_load %arg6[%get3A_167, %get3A_168] {strides = array<i32>} : memref<8x256xf32, #tpu.memory_space<vmem>>, vector<16xf32>,
    %mul3A_170 = arith.mulf %get3A_169, %get3A_169 : vector<16xf32>
    %add3A_171 = arith.addf %add3A_165, %mul3A_170 : vector<16xf32>
    %get3A_172 = arith.constant 1 : i32
    %get3A_173 = arith.index_cast %get3A_172 : i32 to index
    %get3A_174 = arith.constant 160 : index
    %get3A_175 = tpu.vector_load %arg6[%get3A_173, %get3A_174] {strides = array<i32>} : memref<8x256xf32, #tpu.memory_space<vmem>>, vector<16xf32>,
    %mul3A_176 = arith.mulf %get3A_175, %get3A_175 : vector<16xf32>
    %add3A_177 = arith.addf %add3A_171, %mul3A_176 : vector<16xf32>
    %get3A_178 = arith.constant 1 : i32
    %get3A_179 = arith.index_cast %get3A_178 : i32 to index
    %get3A_180 = arith.constant 176 : index
    %get3A_181 = tpu.vector_load %arg6[%get3A_179, %get3A_180] {strides = array<i32>} : memref<8x256xf32, #tpu.memory_space<vmem>>, vector<16xf32>,
    %mul3A_182 = arith.mulf %get3A_181, %get3A_181 : vector<16xf32>
    %add3A_183 = arith.addf %add3A_177, %mul3A_182 : vector<16xf32>
    %get3A_184 = arith.constant 1 : i32
    %get3A_185 = arith.index_cast %get3A_184 : i32 to index
    %get3A_186 = arith.constant 192 : index
    %get3A_187 = tpu.vector_load %arg6[%get3A_185, %get3A_186] {strides = array<i32>} : memref<8x256xf32, #tpu.memory_space<vmem>>, vector<16xf32>,
    %mul3A_188 = arith.mulf %get3A_187, %get3A_187 : vector<16xf32>
    %add3A_189 = arith.addf %add3A_183, %mul3A_188 : vector<16xf32>
    %get3A_190 = arith.constant 1 : i32
    %get3A_191 = arith.index_cast %get3A_190 : i32 to index
    %get3A_192 = arith.constant 208 : index
    %get3A_193 = tpu.vector_load %arg6[%get3A_191, %get3A_192] {strides = array<i32>} : memref<8x256xf32, #tpu.memory_space<vmem>>, vector<16xf32>,
    %mul3A_194 = arith.mulf %get3A_193, %get3A_193 : vector<16xf32>
    %add3A_195 = arith.addf %add3A_189, %mul3A_194 : vector<16xf32>
    %get3A_196 = arith.constant 1 : i32
    %get3A_197 = arith.index_cast %get3A_196 : i32 to index
    %get3A_198 = arith.constant 224 : index
    %get3A_199 = tpu.vector_load %arg6[%get3A_197, %get3A_198] {strides = array<i32>} : memref<8x256xf32, #tpu.memory_space<vmem>>, vector<16xf32>,
    %mul3A_200 = arith.mulf %get3A_199, %get3A_199 : vector<16xf32>
    %add3A_201 = arith.addf %add3A_195, %mul3A_200 : vector<16xf32>
    %get3A_202 = arith.constant 1 : i32
    %get3A_203 = arith.index_cast %get3A_202 : i32 to index
    %get3A_204 = arith.constant 240 : index
    %get3A_205 = tpu.vector_load %arg6[%get3A_203, %get3A_204] {strides = array<i32>} : memref<8x256xf32, #tpu.memory_space<vmem>>, vector<16xf32>,
    %mul3A_206 = arith.mulf %get3A_205, %get3A_205 : vector<16xf32>
    %add3A_207 = arith.addf %add3A_201, %mul3A_206 : vector<16xf32>
    %reduce_sum3A_208 = arith.constant true
    %reduce_sum3A_209 = vector.broadcast %reduce_sum3A_208 : i1 to vector<16xi1>
    %reduce_sum3A_210 = tpu.scan <sum>, %add3A_207 masked %reduce_sum3A_209 : vector<16xf32>, vector<16xi1> -> vector<16xf32>
    %reduce_sum3A_211 = vector.extract %reduce_sum3A_210[15] : f32 from vector<16xf32>
    %eq3A_212 = arith.constant 1 : i32
    %eq3A_213 = vector.broadcast %eq3A_212 : i32 to vector<16xi32>
    %eq3A_214 = arith.cmpi eq, %iota3A, %eq3A_213 : vector<16xi32>
    %broadcast_in_dim3A_215 = vector.broadcast %reduce_sum3A_211 : f32 to vector<16xf32>
    %select_n3A_216 = arith.select %eq3A_214, %broadcast_in_dim3A_215, %select_n3A : vector<16xi1>, vector<16xf32>
    %broadcast_in_dim3A_217 = arith.constant 0.000000e+00 : f32
    %broadcast_in_dim3A_218 = vector.broadcast %broadcast_in_dim3A_217 : f32 to vector<16xf32>
    %get3A_219 = arith.constant 2 : i32
    %get3A_220 = arith.index_cast %get3A_219 : i32 to index
    %get3A_221 = arith.constant 0 : index
    %get3A_222 = tpu.vector_load %arg6[%get3A_220, %get3A_221] {strides = array<i32>} : memref<8x256xf32, #tpu.memory_space<vmem>>, vector<16xf32>,
    %mul3A_223 = arith.mulf %get3A_222, %get3A_222 : vector<16xf32>
    %add3A_224 = arith.addf %broadcast_in_dim3A_218, %mul3A_223 : vector<16xf32>
    %get3A_225 = arith.constant 2 : i32
    %get3A_226 = arith.index_cast %get3A_225 : i32 to index
    %get3A_227 = arith.constant 16 : index
    %get3A_228 = tpu.vector_load %arg6[%get3A_226, %get3A_227] {strides = array<i32>} : memref<8x256xf32, #tpu.memory_space<vmem>>, vector<16xf32>,
    %mul3A_229 = arith.mulf %get3A_228, %get3A_228 : vector<16xf32>
    %add3A_230 = arith.addf %add3A_224, %mul3A_229 : vector<16xf32>
    %get3A_231 = arith.constant 2 : i32
    %get3A_232 = arith.index_cast %get3A_231 : i32 to index
    %get3A_233 = arith.constant 32 : index
    %get3A_234 = tpu.vector_load %arg6[%get3A_232, %get3A_233] {strides = array<i32>} : memref<8x256xf32, #tpu.memory_space<vmem>>, vector<16xf32>,
    %mul3A_235 = arith.mulf %get3A_234, %get3A_234 : vector<16xf32>
    %add3A_236 = arith.addf %add3A_230, %mul3A_235 : vector<16xf32>
    %get3A_237 = arith.constant 2 : i32
    %get3A_238 = arith.index_cast %get3A_237 : i32 to index
    %get3A_239 = arith.constant 48 : index
    %get3A_240 = tpu.vector_load %arg6[%get3A_238, %get3A_239] {strides = array<i32>} : memref<8x256xf32, #tpu.memory_space<vmem>>, vector<16xf32>,
    %mul3A_241 = arith.mulf %get3A_240, %get3A_240 : vector<16xf32>
    %add3A_242 = arith.addf %add3A_236, %mul3A_241 : vector<16xf32>
    %get3A_243 = arith.constant 2 : i32
    %get3A_244 = arith.index_cast %get3A_243 : i32 to index
    %get3A_245 = arith.constant 64 : index
    %get3A_246 = tpu.vector_load %arg6[%get3A_244, %get3A_245] {strides = array<i32>} : memref<8x256xf32, #tpu.memory_space<vmem>>, vector<16xf32>,
    %mul3A_247 = arith.mulf %get3A_246, %get3A_246 : vector<16xf32>
    %add3A_248 = arith.addf %add3A_242, %mul3A_247 : vector<16xf32>
    %get3A_249 = arith.constant 2 : i32
    %get3A_250 = arith.index_cast %get3A_249 : i32 to index
    %get3A_251 = arith.constant 80 : index
    %get3A_252 = tpu.vector_load %arg6[%get3A_250, %get3A_251] {strides = array<i32>} : memref<8x256xf32, #tpu.memory_space<vmem>>, vector<16xf32>,
    %mul3A_253 = arith.mulf %get3A_252, %get3A_252 : vector<16xf32>
    %add3A_254 = arith.addf %add3A_248, %mul3A_253 : vector<16xf32>
    %get3A_255 = arith.constant 2 : i32
    %get3A_256 = arith.index_cast %get3A_255 : i32 to index
    %get3A_257 = arith.constant 96 : index
    %get3A_258 = tpu.vector_load %arg6[%get3A_256, %get3A_257] {strides = array<i32>} : memref<8x256xf32, #tpu.memory_space<vmem>>, vector<16xf32>,
    %mul3A_259 = arith.mulf %get3A_258, %get3A_258 : vector<16xf32>
    %add3A_260 = arith.addf %add3A_254, %mul3A_259 : vector<16xf32>
    %get3A_261 = arith.constant 2 : i32
    %get3A_262 = arith.index_cast %get3A_261 : i32 to index
    %get3A_263 = arith.constant 112 : index
    %get3A_264 = tpu.vector_load %arg6[%get3A_262, %get3A_263] {strides = array<i32>} : memref<8x256xf32, #tpu.memory_space<vmem>>, vector<16xf32>,
    %mul3A_265 = arith.mulf %get3A_264, %get3A_264 : vector<16xf32>
    %add3A_266 = arith.addf %add3A_260, %mul3A_265 : vector<16xf32>
    %get3A_267 = arith.constant 2 : i32
    %get3A_268 = arith.index_cast %get3A_267 : i32 to index
    %get3A_269 = arith.constant 128 : index
    %get3A_270 = tpu.vector_load %arg6[%get3A_268, %get3A_269] {strides = array<i32>} : memref<8x256xf32, #tpu.memory_space<vmem>>, vector<16xf32>,
    %mul3A_271 = arith.mulf %get3A_270, %get3A_270 : vector<16xf32>
    %add3A_272 = arith.addf %add3A_266, %mul3A_271 : vector<16xf32>
    %get3A_273 = arith.constant 2 : i32
    %get3A_274 = arith.index_cast %get3A_273 : i32 to index
    %get3A_275 = arith.constant 144 : index
    %get3A_276 = tpu.vector_load %arg6[%get3A_274, %get3A_275] {strides = array<i32>} : memref<8x256xf32, #tpu.memory_space<vmem>>, vector<16xf32>,
    %mul3A_277 = arith.mulf %get3A_276, %get3A_276 : vector<16xf32>
    %add3A_278 = arith.addf %add3A_272, %mul3A_277 : vector<16xf32>
    %get3A_279 = arith.constant 2 : i32
    %get3A_280 = arith.index_cast %get3A_279 : i32 to index
    %get3A_281 = arith.constant 160 : index
    %get3A_282 = tpu.vector_load %arg6[%get3A_280, %get3A_281] {strides = array<i32>} : memref<8x256xf32, #tpu.memory_space<vmem>>, vector<16xf32>,
    %mul3A_283 = arith.mulf %get3A_282, %get3A_282 : vector<16xf32>
    %add3A_284 = arith.addf %add3A_278, %mul3A_283 : vector<16xf32>
    %get3A_285 = arith.constant 2 : i32
    %get3A_286 = arith.index_cast %get3A_285 : i32 to index
    %get3A_287 = arith.constant 176 : index
    %get3A_288 = tpu.vector_load %arg6[%get3A_286, %get3A_287] {strides = array<i32>} : memref<8x256xf32, #tpu.memory_space<vmem>>, vector<16xf32>,
    %mul3A_289 = arith.mulf %get3A_288, %get3A_288 : vector<16xf32>
    %add3A_290 = arith.addf %add3A_284, %mul3A_289 : vector<16xf32>
    %get3A_291 = arith.constant 2 : i32
    %get3A_292 = arith.index_cast %get3A_291 : i32 to index
    %get3A_293 = arith.constant 192 : index
    %get3A_294 = tpu.vector_load %arg6[%get3A_292, %get3A_293] {strides = array<i32>} : memref<8x256xf32, #tpu.memory_space<vmem>>, vector<16xf32>,
    %mul3A_295 = arith.mulf %get3A_294, %get3A_294 : vector<16xf32>
    %add3A_296 = arith.addf %add3A_290, %mul3A_295 : vector<16xf32>
    %get3A_297 = arith.constant 2 : i32
    %get3A_298 = arith.index_cast %get3A_297 : i32 to index
    %get3A_299 = arith.constant 208 : index
    %get3A_300 = tpu.vector_load %arg6[%get3A_298, %get3A_299] {strides = array<i32>} : memref<8x256xf32, #tpu.memory_space<vmem>>, vector<16xf32>,
    %mul3A_301 = arith.mulf %get3A_300, %get3A_300 : vector<16xf32>
    %add3A_302 = arith.addf %add3A_296, %mul3A_301 : vector<16xf32>
    %get3A_303 = arith.constant 2 : i32
    %get3A_304 = arith.index_cast %get3A_303 : i32 to index
    %get3A_305 = arith.constant 224 : index
    %get3A_306 = tpu.vector_load %arg6[%get3A_304, %get3A_305] {strides = array<i32>} : memref<8x256xf32, #tpu.memory_space<vmem>>, vector<16xf32>,
    %mul3A_307 = arith.mulf %get3A_306, %get3A_306 : vector<16xf32>
    %add3A_308 = arith.addf %add3A_302, %mul3A_307 : vector<16xf32>
    %get3A_309 = arith.constant 2 : i32
    %get3A_310 = arith.index_cast %get3A_309 : i32 to index
    %get3A_311 = arith.constant 240 : index
    %get3A_312 = tpu.vector_load %arg6[%get3A_310, %get3A_311] {strides = array<i32>} : memref<8x256xf32, #tpu.memory_space<vmem>>, vector<16xf32>,
    %mul3A_313 = arith.mulf %get3A_312, %get3A_312 : vector<16xf32>
    %add3A_314 = arith.addf %add3A_308, %mul3A_313 : vector<16xf32>
    %reduce_sum3A_315 = arith.constant true
    %reduce_sum3A_316 = vector.broadcast %reduce_sum3A_315 : i1 to vector<16xi1>
    %reduce_sum3A_317 = tpu.scan <sum>, %add3A_314 masked %reduce_sum3A_316 : vector<16xf32>, vector<16xi1> -> vector<16xf32>
    %reduce_sum3A_318 = vector.extract %reduce_sum3A_317[15] : f32 from vector<16xf32>
    %eq3A_319 = arith.constant 2 : i32
    %eq3A_320 = vector.broadcast %eq3A_319 : i32 to vector<16xi32>
    %eq3A_321 = arith.cmpi eq, %iota3A, %eq3A_320 : vector<16xi32>
    %broadcast_in_dim3A_322 = vector.broadcast %reduce_sum3A_318 : f32 to vector<16xf32>
    %select_n3A_323 = arith.select %eq3A_321, %broadcast_in_dim3A_322, %select_n3A_216 : vector<16xi1>, vector<16xf32>
    %broadcast_in_dim3A_324 = arith.constant 0.000000e+00 : f32
    %broadcast_in_dim3A_325 = vector.broadcast %broadcast_in_dim3A_324 : f32 to vector<16xf32>
    %get3A_326 = arith.constant 3 : i32
    %get3A_327 = arith.index_cast %get3A_326 : i32 to index
    %get3A_328 = arith.constant 0 : index
    %get3A_329 = tpu.vector_load %arg6[%get3A_327, %get3A_328] {strides = array<i32>} : memref<8x256xf32, #tpu.memory_space<vmem>>, vector<16xf32>,
    %mul3A_330 = arith.mulf %get3A_329, %get3A_329 : vector<16xf32>
    %add3A_331 = arith.addf %broadcast_in_dim3A_325, %mul3A_330 : vector<16xf32>
    %get3A_332 = arith.constant 3 : i32
    %get3A_333 = arith.index_cast %get3A_332 : i32 to index
    %get3A_334 = arith.constant 16 : index
    %get3A_335 = tpu.vector_load %arg6[%get3A_333, %get3A_334] {strides = array<i32>} : memref<8x256xf32, #tpu.memory_space<vmem>>, vector<16xf32>,
    %mul3A_336 = arith.mulf %get3A_335, %get3A_335 : vector<16xf32>
    %add3A_337 = arith.addf %add3A_331, %mul3A_336 : vector<16xf32>
    %get3A_338 = arith.constant 3 : i32
    %get3A_339 = arith.index_cast %get3A_338 : i32 to index
    %get3A_340 = arith.constant 32 : index
    %get3A_341 = tpu.vector_load %arg6[%get3A_339, %get3A_340] {strides = array<i32>} : memref<8x256xf32, #tpu.memory_space<vmem>>, vector<16xf32>,
    %mul3A_342 = arith.mulf %get3A_341, %get3A_341 : vector<16xf32>
    %add3A_343 = arith.addf %add3A_337, %mul3A_342 : vector<16xf32>
    %get3A_344 = arith.constant 3 : i32
    %get3A_345 = arith.index_cast %get3A_344 : i32 to index
    %get3A_346 = arith.constant 48 : index
    %get3A_347 = tpu.vector_load %arg6[%get3A_345, %get3A_346] {strides = array<i32>} : memref<8x256xf32, #tpu.memory_space<vmem>>, vector<16xf32>,
    %mul3A_348 = arith.mulf %get3A_347, %get3A_347 : vector<16xf32>
    %add3A_349 = arith.addf %add3A_343, %mul3A_348 : vector<16xf32>
    %get3A_350 = arith.constant 3 : i32
    %get3A_351 = arith.index_cast %get3A_350 : i32 to index
    %get3A_352 = arith.constant 64 : index
    %get3A_353 = tpu.vector_load %arg6[%get3A_351, %get3A_352] {strides = array<i32>} : memref<8x256xf32, #tpu.memory_space<vmem>>, vector<16xf32>,
    %mul3A_354 = arith.mulf %get3A_353, %get3A_353 : vector<16xf32>
    %add3A_355 = arith.addf %add3A_349, %mul3A_354 : vector<16xf32>
    %get3A_356 = arith.constant 3 : i32
    %get3A_357 = arith.index_cast %get3A_356 : i32 to index
    %get3A_358 = arith.constant 80 : index
    %get3A_359 = tpu.vector_load %arg6[%get3A_357, %get3A_358] {strides = array<i32>} : memref<8x256xf32, #tpu.memory_space<vmem>>, vector<16xf32>,
    %mul3A_360 = arith.mulf %get3A_359, %get3A_359 : vector<16xf32>
    %add3A_361 = arith.addf %add3A_355, %mul3A_360 : vector<16xf32>
    %get3A_362 = arith.constant 3 : i32
    %get3A_363 = arith.index_cast %get3A_362 : i32 to index
    %get3A_364 = arith.constant 96 : index
    %get3A_365 = tpu.vector_load %arg6[%get3A_363, %get3A_364] {strides = array<i32>} : memref<8x256xf32, #tpu.memory_space<vmem>>, vector<16xf32>,
    %mul3A_366 = arith.mulf %get3A_365, %get3A_365 : vector<16xf32>
    %add3A_367 = arith.addf %add3A_361, %mul3A_366 : vector<16xf32>
    %get3A_368 = arith.constant 3 : i32
    %get3A_369 = arith.index_cast %get3A_368 : i32 to index
    %get3A_370 = arith.constant 112 : index
    %get3A_371 = tpu.vector_load %arg6[%get3A_369, %get3A_370] {strides = array<i32>} : memref<8x256xf32, #tpu.memory_space<vmem>>, vector<16xf32>,
    %mul3A_372 = arith.mulf %get3A_371, %get3A_371 : vector<16xf32>
    %add3A_373 = arith.addf %add3A_367, %mul3A_372 : vector<16xf32>
    %get3A_374 = arith.constant 3 : i32
    %get3A_375 = arith.index_cast %get3A_374 : i32 to index
    %get3A_376 = arith.constant 128 : index
    %get3A_377 = tpu.vector_load %arg6[%get3A_375, %get3A_376] {strides = array<i32>} : memref<8x256xf32, #tpu.memory_space<vmem>>, vector<16xf32>,
    %mul3A_378 = arith.mulf %get3A_377, %get3A_377 : vector<16xf32>
    %add3A_379 = arith.addf %add3A_373, %mul3A_378 : vector<16xf32>
    %get3A_380 = arith.constant 3 : i32
    %get3A_381 = arith.index_cast %get3A_380 : i32 to index
    %get3A_382 = arith.constant 144 : index
    %get3A_383 = tpu.vector_load %arg6[%get3A_381, %get3A_382] {strides = array<i32>} : memref<8x256xf32, #tpu.memory_space<vmem>>, vector<16xf32>,
    %mul3A_384 = arith.mulf %get3A_383, %get3A_383 : vector<16xf32>
    %add3A_385 = arith.addf %add3A_379, %mul3A_384 : vector<16xf32>
    %get3A_386 = arith.constant 3 : i32
    %get3A_387 = arith.index_cast %get3A_386 : i32 to index
    %get3A_388 = arith.constant 160 : index
    %get3A_389 = tpu.vector_load %arg6[%get3A_387, %get3A_388] {strides = array<i32>} : memref<8x256xf32, #tpu.memory_space<vmem>>, vector<16xf32>,
    %mul3A_390 = arith.mulf %get3A_389, %get3A_389 : vector<16xf32>
    %add3A_391 = arith.addf %add3A_385, %mul3A_390 : vector<16xf32>
    %get3A_392 = arith.constant 3 : i32
    %get3A_393 = arith.index_cast %get3A_392 : i32 to index
    %get3A_394 = arith.constant 176 : index
    %get3A_395 = tpu.vector_load %arg6[%get3A_393, %get3A_394] {strides = array<i32>} : memref<8x256xf32, #tpu.memory_space<vmem>>, vector<16xf32>,
    %mul3A_396 = arith.mulf %get3A_395, %get3A_395 : vector<16xf32>
    %add3A_397 = arith.addf %add3A_391, %mul3A_396 : vector<16xf32>
    %get3A_398 = arith.constant 3 : i32
    %get3A_399 = arith.index_cast %get3A_398 : i32 to index
    %get3A_400 = arith.constant 192 : index
    %get3A_401 = tpu.vector_load %arg6[%get3A_399, %get3A_400] {strides = array<i32>} : memref<8x256xf32, #tpu.memory_space<vmem>>, vector<16xf32>,
    %mul3A_402 = arith.mulf %get3A_401, %get3A_401 : vector<16xf32>
    %add3A_403 = arith.addf %add3A_397, %mul3A_402 : vector<16xf32>
    %get3A_404 = arith.constant 3 : i32
    %get3A_405 = arith.index_cast %get3A_404 : i32 to index
    %get3A_406 = arith.constant 208 : index
    %get3A_407 = tpu.vector_load %arg6[%get3A_405, %get3A_406] {strides = array<i32>} : memref<8x256xf32, #tpu.memory_space<vmem>>, vector<16xf32>,
    %mul3A_408 = arith.mulf %get3A_407, %get3A_407 : vector<16xf32>
    %add3A_409 = arith.addf %add3A_403, %mul3A_408 : vector<16xf32>
    %get3A_410 = arith.constant 3 : i32
    %get3A_411 = arith.index_cast %get3A_410 : i32 to index
    %get3A_412 = arith.constant 224 : index
    %get3A_413 = tpu.vector_load %arg6[%get3A_411, %get3A_412] {strides = array<i32>} : memref<8x256xf32, #tpu.memory_space<vmem>>, vector<16xf32>,
    %mul3A_414 = arith.mulf %get3A_413, %get3A_413 : vector<16xf32>
    %add3A_415 = arith.addf %add3A_409, %mul3A_414 : vector<16xf32>
    %get3A_416 = arith.constant 3 : i32
    %get3A_417 = arith.index_cast %get3A_416 : i32 to index
    %get3A_418 = arith.constant 240 : index
    %get3A_419 = tpu.vector_load %arg6[%get3A_417, %get3A_418] {strides = array<i32>} : memref<8x256xf32, #tpu.memory_space<vmem>>, vector<16xf32>,
    %mul3A_420 = arith.mulf %get3A_419, %get3A_419 : vector<16xf32>
    %add3A_421 = arith.addf %add3A_415, %mul3A_420 : vector<16xf32>
    %reduce_sum3A_422 = arith.constant true
    %reduce_sum3A_423 = vector.broadcast %reduce_sum3A_422 : i1 to vector<16xi1>
    %reduce_sum3A_424 = tpu.scan <sum>, %add3A_421 masked %reduce_sum3A_423 : vector<16xf32>, vector<16xi1> -> vector<16xf32>
    %reduce_sum3A_425 = vector.extract %reduce_sum3A_424[15] : f32 from vector<16xf32>
    %eq3A_426 = arith.constant 3 : i32
    %eq3A_427 = vector.broadcast %eq3A_426 : i32 to vector<16xi32>
    %eq3A_428 = arith.cmpi eq, %iota3A, %eq3A_427 : vector<16xi32>
    %broadcast_in_dim3A_429 = vector.broadcast %reduce_sum3A_425 : f32 to vector<16xf32>
    %select_n3A_430 = arith.select %eq3A_428, %broadcast_in_dim3A_429, %select_n3A_323 : vector<16xi1>, vector<16xf32>
    %broadcast_in_dim3A_431 = arith.constant 0.000000e+00 : f32
    %broadcast_in_dim3A_432 = vector.broadcast %broadcast_in_dim3A_431 : f32 to vector<16xf32>
    %get3A_433 = arith.constant 4 : i32
    %get3A_434 = arith.index_cast %get3A_433 : i32 to index
    %get3A_435 = arith.constant 0 : index
    %get3A_436 = tpu.vector_load %arg6[%get3A_434, %get3A_435] {strides = array<i32>} : memref<8x256xf32, #tpu.memory_space<vmem>>, vector<16xf32>,
    %mul3A_437 = arith.mulf %get3A_436, %get3A_436 : vector<16xf32>
    %add3A_438 = arith.addf %broadcast_in_dim3A_432, %mul3A_437 : vector<16xf32>
    %get3A_439 = arith.constant 4 : i32
    %get3A_440 = arith.index_cast %get3A_439 : i32 to index
    %get3A_441 = arith.constant 16 : index
    %get3A_442 = tpu.vector_load %arg6[%get3A_440, %get3A_441] {strides = array<i32>} : memref<8x256xf32, #tpu.memory_space<vmem>>, vector<16xf32>,
    %mul3A_443 = arith.mulf %get3A_442, %get3A_442 : vector<16xf32>
    %add3A_444 = arith.addf %add3A_438, %mul3A_443 : vector<16xf32>
    %get3A_445 = arith.constant 4 : i32
    %get3A_446 = arith.index_cast %get3A_445 : i32 to index
    %get3A_447 = arith.constant 32 : index
    %get3A_448 = tpu.vector_load %arg6[%get3A_446, %get3A_447] {strides = array<i32>} : memref<8x256xf32, #tpu.memory_space<vmem>>, vector<16xf32>,
    %mul3A_449 = arith.mulf %get3A_448, %get3A_448 : vector<16xf32>
    %add3A_450 = arith.addf %add3A_444, %mul3A_449 : vector<16xf32>
    %get3A_451 = arith.constant 4 : i32
    %get3A_452 = arith.index_cast %get3A_451 : i32 to index
    %get3A_453 = arith.constant 48 : index
    %get3A_454 = tpu.vector_load %arg6[%get3A_452, %get3A_453] {strides = array<i32>} : memref<8x256xf32, #tpu.memory_space<vmem>>, vector<16xf32>,
    %mul3A_455 = arith.mulf %get3A_454, %get3A_454 : vector<16xf32>
    %add3A_456 = arith.addf %add3A_450, %mul3A_455 : vector<16xf32>
    %get3A_457 = arith.constant 4 : i32
    %get3A_458 = arith.index_cast %get3A_457 : i32 to index
    %get3A_459 = arith.constant 64 : index
    %get3A_460 = tpu.vector_load %arg6[%get3A_458, %get3A_459] {strides = array<i32>} : memref<8x256xf32, #tpu.memory_space<vmem>>, vector<16xf32>,
    %mul3A_461 = arith.mulf %get3A_460, %get3A_460 : vector<16xf32>
    %add3A_462 = arith.addf %add3A_456, %mul3A_461 : vector<16xf32>
    %get3A_463 = arith.constant 4 : i32
    %get3A_464 = arith.index_cast %get3A_463 : i32 to index
    %get3A_465 = arith.constant 80 : index
    %get3A_466 = tpu.vector_load %arg6[%get3A_464, %get3A_465] {strides = array<i32>} : memref<8x256xf32, #tpu.memory_space<vmem>>, vector<16xf32>,
    %mul3A_467 = arith.mulf %get3A_466, %get3A_466 : vector<16xf32>
    %add3A_468 = arith.addf %add3A_462, %mul3A_467 : vector<16xf32>
    %get3A_469 = arith.constant 4 : i32
    %get3A_470 = arith.index_cast %get3A_469 : i32 to index
    %get3A_471 = arith.constant 96 : index
    %get3A_472 = tpu.vector_load %arg6[%get3A_470, %get3A_471] {strides = array<i32>} : memref<8x256xf32, #tpu.memory_space<vmem>>, vector<16xf32>,
    %mul3A_473 = arith.mulf %get3A_472, %get3A_472 : vector<16xf32>
    %add3A_474 = arith.addf %add3A_468, %mul3A_473 : vector<16xf32>
    %get3A_475 = arith.constant 4 : i32
    %get3A_476 = arith.index_cast %get3A_475 : i32 to index
    %get3A_477 = arith.constant 112 : index
    %get3A_478 = tpu.vector_load %arg6[%get3A_476, %get3A_477] {strides = array<i32>} : memref<8x256xf32, #tpu.memory_space<vmem>>, vector<16xf32>,
    %mul3A_479 = arith.mulf %get3A_478, %get3A_478 : vector<16xf32>
    %add3A_480 = arith.addf %add3A_474, %mul3A_479 : vector<16xf32>
    %get3A_481 = arith.constant 4 : i32
    %get3A_482 = arith.index_cast %get3A_481 : i32 to index
    %get3A_483 = arith.constant 128 : index
    %get3A_484 = tpu.vector_load %arg6[%get3A_482, %get3A_483] {strides = array<i32>} : memref<8x256xf32, #tpu.memory_space<vmem>>, vector<16xf32>,
    %mul3A_485 = arith.mulf %get3A_484, %get3A_484 : vector<16xf32>
    %add3A_486 = arith.addf %add3A_480, %mul3A_485 : vector<16xf32>
    %get3A_487 = arith.constant 4 : i32
    %get3A_488 = arith.index_cast %get3A_487 : i32 to index
    %get3A_489 = arith.constant 144 : index
    %get3A_490 = tpu.vector_load %arg6[%get3A_488, %get3A_489] {strides = array<i32>} : memref<8x256xf32, #tpu.memory_space<vmem>>, vector<16xf32>,
    %mul3A_491 = arith.mulf %get3A_490, %get3A_490 : vector<16xf32>
    %add3A_492 = arith.addf %add3A_486, %mul3A_491 : vector<16xf32>
    %get3A_493 = arith.constant 4 : i32
    %get3A_494 = arith.index_cast %get3A_493 : i32 to index
    %get3A_495 = arith.constant 160 : index
    %get3A_496 = tpu.vector_load %arg6[%get3A_494, %get3A_495] {strides = array<i32>} : memref<8x256xf32, #tpu.memory_space<vmem>>, vector<16xf32>,
    %mul3A_497 = arith.mulf %get3A_496, %get3A_496 : vector<16xf32>
    %add3A_498 = arith.addf %add3A_492, %mul3A_497 : vector<16xf32>
    %get3A_499 = arith.constant 4 : i32
    %get3A_500 = arith.index_cast %get3A_499 : i32 to index
    %get3A_501 = arith.constant 176 : index
    %get3A_502 = tpu.vector_load %arg6[%get3A_500, %get3A_501] {strides = array<i32>} : memref<8x256xf32, #tpu.memory_space<vmem>>, vector<16xf32>,
    %mul3A_503 = arith.mulf %get3A_502, %get3A_502 : vector<16xf32>
    %add3A_504 = arith.addf %add3A_498, %mul3A_503 : vector<16xf32>
    %get3A_505 = arith.constant 4 : i32
    %get3A_506 = arith.index_cast %get3A_505 : i32 to index
    %get3A_507 = arith.constant 192 : index
    %get3A_508 = tpu.vector_load %arg6[%get3A_506, %get3A_507] {strides = array<i32>} : memref<8x256xf32, #tpu.memory_space<vmem>>, vector<16xf32>,
    %mul3A_509 = arith.mulf %get3A_508, %get3A_508 : vector<16xf32>
    %add3A_510 = arith.addf %add3A_504, %mul3A_509 : vector<16xf32>
    %get3A_511 = arith.constant 4 : i32
    %get3A_512 = arith.index_cast %get3A_511 : i32 to index
    %get3A_513 = arith.constant 208 : index
    %get3A_514 = tpu.vector_load %arg6[%get3A_512, %get3A_513] {strides = array<i32>} : memref<8x256xf32, #tpu.memory_space<vmem>>, vector<16xf32>,
    %mul3A_515 = arith.mulf %get3A_514, %get3A_514 : vector<16xf32>
    %add3A_516 = arith.addf %add3A_510, %mul3A_515 : vector<16xf32>
    %get3A_517 = arith.constant 4 : i32
    %get3A_518 = arith.index_cast %get3A_517 : i32 to index
    %get3A_519 = arith.constant 224 : index
    %get3A_520 = tpu.vector_load %arg6[%get3A_518, %get3A_519] {strides = array<i32>} : memref<8x256xf32, #tpu.memory_space<vmem>>, vector<16xf32>,
    %mul3A_521 = arith.mulf %get3A_520, %get3A_520 : vector<16xf32>
    %add3A_522 = arith.addf %add3A_516, %mul3A_521 : vector<16xf32>
    %get3A_523 = arith.constant 4 : i32
    %get3A_524 = arith.index_cast %get3A_523 : i32 to index
    %get3A_525 = arith.constant 240 : index
    %get3A_526 = tpu.vector_load %arg6[%get3A_524, %get3A_525] {strides = array<i32>} : memref<8x256xf32, #tpu.memory_space<vmem>>, vector<16xf32>,
    %mul3A_527 = arith.mulf %get3A_526, %get3A_526 : vector<16xf32>
    %add3A_528 = arith.addf %add3A_522, %mul3A_527 : vector<16xf32>
    %reduce_sum3A_529 = arith.constant true
    %reduce_sum3A_530 = vector.broadcast %reduce_sum3A_529 : i1 to vector<16xi1>
    %reduce_sum3A_531 = tpu.scan <sum>, %add3A_528 masked %reduce_sum3A_530 : vector<16xf32>, vector<16xi1> -> vector<16xf32>
    %reduce_sum3A_532 = vector.extract %reduce_sum3A_531[15] : f32 from vector<16xf32>
    %eq3A_533 = arith.constant 4 : i32
    %eq3A_534 = vector.broadcast %eq3A_533 : i32 to vector<16xi32>
    %eq3A_535 = arith.cmpi eq, %iota3A, %eq3A_534 : vector<16xi32>
    %broadcast_in_dim3A_536 = vector.broadcast %reduce_sum3A_532 : f32 to vector<16xf32>
    %select_n3A_537 = arith.select %eq3A_535, %broadcast_in_dim3A_536, %select_n3A_430 : vector<16xi1>, vector<16xf32>
    %broadcast_in_dim3A_538 = arith.constant 0.000000e+00 : f32
    %broadcast_in_dim3A_539 = vector.broadcast %broadcast_in_dim3A_538 : f32 to vector<16xf32>
    %get3A_540 = arith.constant 5 : i32
    %get3A_541 = arith.index_cast %get3A_540 : i32 to index
    %get3A_542 = arith.constant 0 : index
    %get3A_543 = tpu.vector_load %arg6[%get3A_541, %get3A_542] {strides = array<i32>} : memref<8x256xf32, #tpu.memory_space<vmem>>, vector<16xf32>,
    %mul3A_544 = arith.mulf %get3A_543, %get3A_543 : vector<16xf32>
    %add3A_545 = arith.addf %broadcast_in_dim3A_539, %mul3A_544 : vector<16xf32>
    %get3A_546 = arith.constant 5 : i32
    %get3A_547 = arith.index_cast %get3A_546 : i32 to index
    %get3A_548 = arith.constant 16 : index
    %get3A_549 = tpu.vector_load %arg6[%get3A_547, %get3A_548] {strides = array<i32>} : memref<8x256xf32, #tpu.memory_space<vmem>>, vector<16xf32>,
    %mul3A_550 = arith.mulf %get3A_549, %get3A_549 : vector<16xf32>
    %add3A_551 = arith.addf %add3A_545, %mul3A_550 : vector<16xf32>
    %get3A_552 = arith.constant 5 : i32
    %get3A_553 = arith.index_cast %get3A_552 : i32 to index
    %get3A_554 = arith.constant 32 : index
    %get3A_555 = tpu.vector_load %arg6[%get3A_553, %get3A_554] {strides = array<i32>} : memref<8x256xf32, #tpu.memory_space<vmem>>, vector<16xf32>,
    %mul3A_556 = arith.mulf %get3A_555, %get3A_555 : vector<16xf32>
    %add3A_557 = arith.addf %add3A_551, %mul3A_556 : vector<16xf32>
    %get3A_558 = arith.constant 5 : i32
    %get3A_559 = arith.index_cast %get3A_558 : i32 to index
    %get3A_560 = arith.constant 48 : index
    %get3A_561 = tpu.vector_load %arg6[%get3A_559, %get3A_560] {strides = array<i32>} : memref<8x256xf32, #tpu.memory_space<vmem>>, vector<16xf32>,
    %mul3A_562 = arith.mulf %get3A_561, %get3A_561 : vector<16xf32>
    %add3A_563 = arith.addf %add3A_557, %mul3A_562 : vector<16xf32>
    %get3A_564 = arith.constant 5 : i32
    %get3A_565 = arith.index_cast %get3A_564 : i32 to index
    %get3A_566 = arith.constant 64 : index
    %get3A_567 = tpu.vector_load %arg6[%get3A_565, %get3A_566] {strides = array<i32>} : memref<8x256xf32, #tpu.memory_space<vmem>>, vector<16xf32>,
    %mul3A_568 = arith.mulf %get3A_567, %get3A_567 : vector<16xf32>
    %add3A_569 = arith.addf %add3A_563, %mul3A_568 : vector<16xf32>
    %get3A_570 = arith.constant 5 : i32
    %get3A_571 = arith.index_cast %get3A_570 : i32 to index
    %get3A_572 = arith.constant 80 : index
    %get3A_573 = tpu.vector_load %arg6[%get3A_571, %get3A_572] {strides = array<i32>} : memref<8x256xf32, #tpu.memory_space<vmem>>, vector<16xf32>,
    %mul3A_574 = arith.mulf %get3A_573, %get3A_573 : vector<16xf32>
    %add3A_575 = arith.addf %add3A_569, %mul3A_574 : vector<16xf32>
    %get3A_576 = arith.constant 5 : i32
    %get3A_577 = arith.index_cast %get3A_576 : i32 to index
    %get3A_578 = arith.constant 96 : index
    %get3A_579 = tpu.vector_load %arg6[%get3A_577, %get3A_578] {strides = array<i32>} : memref<8x256xf32, #tpu.memory_space<vmem>>, vector<16xf32>,
    %mul3A_580 = arith.mulf %get3A_579, %get3A_579 : vector<16xf32>
    %add3A_581 = arith.addf %add3A_575, %mul3A_580 : vector<16xf32>
    %get3A_582 = arith.constant 5 : i32
    %get3A_583 = arith.index_cast %get3A_582 : i32 to index
    %get3A_584 = arith.constant 112 : index
    %get3A_585 = tpu.vector_load %arg6[%get3A_583, %get3A_584] {strides = array<i32>} : memref<8x256xf32, #tpu.memory_space<vmem>>, vector<16xf32>,
    %mul3A_586 = arith.mulf %get3A_585, %get3A_585 : vector<16xf32>
    %add3A_587 = arith.addf %add3A_581, %mul3A_586 : vector<16xf32>
    %get3A_588 = arith.constant 5 : i32
    %get3A_589 = arith.index_cast %get3A_588 : i32 to index
    %get3A_590 = arith.constant 128 : index
    %get3A_591 = tpu.vector_load %arg6[%get3A_589, %get3A_590] {strides = array<i32>} : memref<8x256xf32, #tpu.memory_space<vmem>>, vector<16xf32>,
    %mul3A_592 = arith.mulf %get3A_591, %get3A_591 : vector<16xf32>
    %add3A_593 = arith.addf %add3A_587, %mul3A_592 : vector<16xf32>
    %get3A_594 = arith.constant 5 : i32
    %get3A_595 = arith.index_cast %get3A_594 : i32 to index
    %get3A_596 = arith.constant 144 : index
    %get3A_597 = tpu.vector_load %arg6[%get3A_595, %get3A_596] {strides = array<i32>} : memref<8x256xf32, #tpu.memory_space<vmem>>, vector<16xf32>,
    %mul3A_598 = arith.mulf %get3A_597, %get3A_597 : vector<16xf32>
    %add3A_599 = arith.addf %add3A_593, %mul3A_598 : vector<16xf32>
    %get3A_600 = arith.constant 5 : i32
    %get3A_601 = arith.index_cast %get3A_600 : i32 to index
    %get3A_602 = arith.constant 160 : index
    %get3A_603 = tpu.vector_load %arg6[%get3A_601, %get3A_602] {strides = array<i32>} : memref<8x256xf32, #tpu.memory_space<vmem>>, vector<16xf32>,
    %mul3A_604 = arith.mulf %get3A_603, %get3A_603 : vector<16xf32>
    %add3A_605 = arith.addf %add3A_599, %mul3A_604 : vector<16xf32>
    %get3A_606 = arith.constant 5 : i32
    %get3A_607 = arith.index_cast %get3A_606 : i32 to index
    %get3A_608 = arith.constant 176 : index
    %get3A_609 = tpu.vector_load %arg6[%get3A_607, %get3A_608] {strides = array<i32>} : memref<8x256xf32, #tpu.memory_space<vmem>>, vector<16xf32>,
    %mul3A_610 = arith.mulf %get3A_609, %get3A_609 : vector<16xf32>
    %add3A_611 = arith.addf %add3A_605, %mul3A_610 : vector<16xf32>
    %get3A_612 = arith.constant 5 : i32
    %get3A_613 = arith.index_cast %get3A_612 : i32 to index
    %get3A_614 = arith.constant 192 : index
    %get3A_615 = tpu.vector_load %arg6[%get3A_613, %get3A_614] {strides = array<i32>} : memref<8x256xf32, #tpu.memory_space<vmem>>, vector<16xf32>,
    %mul3A_616 = arith.mulf %get3A_615, %get3A_615 : vector<16xf32>
    %add3A_617 = arith.addf %add3A_611, %mul3A_616 : vector<16xf32>
    %get3A_618 = arith.constant 5 : i32
    %get3A_619 = arith.index_cast %get3A_618 : i32 to index
    %get3A_620 = arith.constant 208 : index
    %get3A_621 = tpu.vector_load %arg6[%get3A_619, %get3A_620] {strides = array<i32>} : memref<8x256xf32, #tpu.memory_space<vmem>>, vector<16xf32>,
    %mul3A_622 = arith.mulf %get3A_621, %get3A_621 : vector<16xf32>
    %add3A_623 = arith.addf %add3A_617, %mul3A_622 : vector<16xf32>
    %get3A_624 = arith.constant 5 : i32
    %get3A_625 = arith.index_cast %get3A_624 : i32 to index
    %get3A_626 = arith.constant 224 : index
    %get3A_627 = tpu.vector_load %arg6[%get3A_625, %get3A_626] {strides = array<i32>} : memref<8x256xf32, #tpu.memory_space<vmem>>, vector<16xf32>,
    %mul3A_628 = arith.mulf %get3A_627, %get3A_627 : vector<16xf32>
    %add3A_629 = arith.addf %add3A_623, %mul3A_628 : vector<16xf32>
    %get3A_630 = arith.constant 5 : i32
    %get3A_631 = arith.index_cast %get3A_630 : i32 to index
    %get3A_632 = arith.constant 240 : index
    %get3A_633 = tpu.vector_load %arg6[%get3A_631, %get3A_632] {strides = array<i32>} : memref<8x256xf32, #tpu.memory_space<vmem>>, vector<16xf32>,
    %mul3A_634 = arith.mulf %get3A_633, %get3A_633 : vector<16xf32>
    %add3A_635 = arith.addf %add3A_629, %mul3A_634 : vector<16xf32>
    %reduce_sum3A_636 = arith.constant true
    %reduce_sum3A_637 = vector.broadcast %reduce_sum3A_636 : i1 to vector<16xi1>
    %reduce_sum3A_638 = tpu.scan <sum>, %add3A_635 masked %reduce_sum3A_637 : vector<16xf32>, vector<16xi1> -> vector<16xf32>
    %reduce_sum3A_639 = vector.extract %reduce_sum3A_638[15] : f32 from vector<16xf32>
    %eq3A_640 = arith.constant 5 : i32
    %eq3A_641 = vector.broadcast %eq3A_640 : i32 to vector<16xi32>
    %eq3A_642 = arith.cmpi eq, %iota3A, %eq3A_641 : vector<16xi32>
    %broadcast_in_dim3A_643 = vector.broadcast %reduce_sum3A_639 : f32 to vector<16xf32>
    %select_n3A_644 = arith.select %eq3A_642, %broadcast_in_dim3A_643, %select_n3A_537 : vector<16xi1>, vector<16xf32>
    %broadcast_in_dim3A_645 = arith.constant 0.000000e+00 : f32
    %broadcast_in_dim3A_646 = vector.broadcast %broadcast_in_dim3A_645 : f32 to vector<16xf32>
    %get3A_647 = arith.constant 6 : i32
    %get3A_648 = arith.index_cast %get3A_647 : i32 to index
    %get3A_649 = arith.constant 0 : index
    %get3A_650 = tpu.vector_load %arg6[%get3A_648, %get3A_649] {strides = array<i32>} : memref<8x256xf32, #tpu.memory_space<vmem>>, vector<16xf32>,
    %mul3A_651 = arith.mulf %get3A_650, %get3A_650 : vector<16xf32>
    %add3A_652 = arith.addf %broadcast_in_dim3A_646, %mul3A_651 : vector<16xf32>
    %get3A_653 = arith.constant 6 : i32
    %get3A_654 = arith.index_cast %get3A_653 : i32 to index
    %get3A_655 = arith.constant 16 : index
    %get3A_656 = tpu.vector_load %arg6[%get3A_654, %get3A_655] {strides = array<i32>} : memref<8x256xf32, #tpu.memory_space<vmem>>, vector<16xf32>,
    %mul3A_657 = arith.mulf %get3A_656, %get3A_656 : vector<16xf32>
    %add3A_658 = arith.addf %add3A_652, %mul3A_657 : vector<16xf32>
    %get3A_659 = arith.constant 6 : i32
    %get3A_660 = arith.index_cast %get3A_659 : i32 to index
    %get3A_661 = arith.constant 32 : index
    %get3A_662 = tpu.vector_load %arg6[%get3A_660, %get3A_661] {strides = array<i32>} : memref<8x256xf32, #tpu.memory_space<vmem>>, vector<16xf32>,
    %mul3A_663 = arith.mulf %get3A_662, %get3A_662 : vector<16xf32>
    %add3A_664 = arith.addf %add3A_658, %mul3A_663 : vector<16xf32>
    %get3A_665 = arith.constant 6 : i32
    %get3A_666 = arith.index_cast %get3A_665 : i32 to index
    %get3A_667 = arith.constant 48 : index
    %get3A_668 = tpu.vector_load %arg6[%get3A_666, %get3A_667] {strides = array<i32>} : memref<8x256xf32, #tpu.memory_space<vmem>>, vector<16xf32>,
    %mul3A_669 = arith.mulf %get3A_668, %get3A_668 : vector<16xf32>
    %add3A_670 = arith.addf %add3A_664, %mul3A_669 : vector<16xf32>
    %get3A_671 = arith.constant 6 : i32
    %get3A_672 = arith.index_cast %get3A_671 : i32 to index
    %get3A_673 = arith.constant 64 : index
    %get3A_674 = tpu.vector_load %arg6[%get3A_672, %get3A_673] {strides = array<i32>} : memref<8x256xf32, #tpu.memory_space<vmem>>, vector<16xf32>,
    %mul3A_675 = arith.mulf %get3A_674, %get3A_674 : vector<16xf32>
    %add3A_676 = arith.addf %add3A_670, %mul3A_675 : vector<16xf32>
    %get3A_677 = arith.constant 6 : i32
    %get3A_678 = arith.index_cast %get3A_677 : i32 to index
    %get3A_679 = arith.constant 80 : index
    %get3A_680 = tpu.vector_load %arg6[%get3A_678, %get3A_679] {strides = array<i32>} : memref<8x256xf32, #tpu.memory_space<vmem>>, vector<16xf32>,
    %mul3A_681 = arith.mulf %get3A_680, %get3A_680 : vector<16xf32>
    %add3A_682 = arith.addf %add3A_676, %mul3A_681 : vector<16xf32>
    %get3A_683 = arith.constant 6 : i32
    %get3A_684 = arith.index_cast %get3A_683 : i32 to index
    %get3A_685 = arith.constant 96 : index
    %get3A_686 = tpu.vector_load %arg6[%get3A_684, %get3A_685] {strides = array<i32>} : memref<8x256xf32, #tpu.memory_space<vmem>>, vector<16xf32>,
    %mul3A_687 = arith.mulf %get3A_686, %get3A_686 : vector<16xf32>
    %add3A_688 = arith.addf %add3A_682, %mul3A_687 : vector<16xf32>
    %get3A_689 = arith.constant 6 : i32
    %get3A_690 = arith.index_cast %get3A_689 : i32 to index
    %get3A_691 = arith.constant 112 : index
    %get3A_692 = tpu.vector_load %arg6[%get3A_690, %get3A_691] {strides = array<i32>} : memref<8x256xf32, #tpu.memory_space<vmem>>, vector<16xf32>,
    %mul3A_693 = arith.mulf %get3A_692, %get3A_692 : vector<16xf32>
    %add3A_694 = arith.addf %add3A_688, %mul3A_693 : vector<16xf32>
    %get3A_695 = arith.constant 6 : i32
    %get3A_696 = arith.index_cast %get3A_695 : i32 to index
    %get3A_697 = arith.constant 128 : index
    %get3A_698 = tpu.vector_load %arg6[%get3A_696, %get3A_697] {strides = array<i32>} : memref<8x256xf32, #tpu.memory_space<vmem>>, vector<16xf32>,
    %mul3A_699 = arith.mulf %get3A_698, %get3A_698 : vector<16xf32>
    %add3A_700 = arith.addf %add3A_694, %mul3A_699 : vector<16xf32>
    %get3A_701 = arith.constant 6 : i32
    %get3A_702 = arith.index_cast %get3A_701 : i32 to index
    %get3A_703 = arith.constant 144 : index
    %get3A_704 = tpu.vector_load %arg6[%get3A_702, %get3A_703] {strides = array<i32>} : memref<8x256xf32, #tpu.memory_space<vmem>>, vector<16xf32>,
    %mul3A_705 = arith.mulf %get3A_704, %get3A_704 : vector<16xf32>
    %add3A_706 = arith.addf %add3A_700, %mul3A_705 : vector<16xf32>
    %get3A_707 = arith.constant 6 : i32
    %get3A_708 = arith.index_cast %get3A_707 : i32 to index
    %get3A_709 = arith.constant 160 : index
    %get3A_710 = tpu.vector_load %arg6[%get3A_708, %get3A_709] {strides = array<i32>} : memref<8x256xf32, #tpu.memory_space<vmem>>, vector<16xf32>,
    %mul3A_711 = arith.mulf %get3A_710, %get3A_710 : vector<16xf32>
    %add3A_712 = arith.addf %add3A_706, %mul3A_711 : vector<16xf32>
    %get3A_713 = arith.constant 6 : i32
    %get3A_714 = arith.index_cast %get3A_713 : i32 to index
    %get3A_715 = arith.constant 176 : index
    %get3A_716 = tpu.vector_load %arg6[%get3A_714, %get3A_715] {strides = array<i32>} : memref<8x256xf32, #tpu.memory_space<vmem>>, vector<16xf32>,
    %mul3A_717 = arith.mulf %get3A_716, %get3A_716 : vector<16xf32>
    %add3A_718 = arith.addf %add3A_712, %mul3A_717 : vector<16xf32>
    %get3A_719 = arith.constant 6 : i32
    %get3A_720 = arith.index_cast %get3A_719 : i32 to index
    %get3A_721 = arith.constant 192 : index
    %get3A_722 = tpu.vector_load %arg6[%get3A_720, %get3A_721] {strides = array<i32>} : memref<8x256xf32, #tpu.memory_space<vmem>>, vector<16xf32>,
    %mul3A_723 = arith.mulf %get3A_722, %get3A_722 : vector<16xf32>
    %add3A_724 = arith.addf %add3A_718, %mul3A_723 : vector<16xf32>
    %get3A_725 = arith.constant 6 : i32
    %get3A_726 = arith.index_cast %get3A_725 : i32 to index
    %get3A_727 = arith.constant 208 : index
    %get3A_728 = tpu.vector_load %arg6[%get3A_726, %get3A_727] {strides = array<i32>} : memref<8x256xf32, #tpu.memory_space<vmem>>, vector<16xf32>,
    %mul3A_729 = arith.mulf %get3A_728, %get3A_728 : vector<16xf32>
    %add3A_730 = arith.addf %add3A_724, %mul3A_729 : vector<16xf32>
    %get3A_731 = arith.constant 6 : i32
    %get3A_732 = arith.index_cast %get3A_731 : i32 to index
    %get3A_733 = arith.constant 224 : index
    %get3A_734 = tpu.vector_load %arg6[%get3A_732, %get3A_733] {strides = array<i32>} : memref<8x256xf32, #tpu.memory_space<vmem>>, vector<16xf32>,
    %mul3A_735 = arith.mulf %get3A_734, %get3A_734 : vector<16xf32>
    %add3A_736 = arith.addf %add3A_730, %mul3A_735 : vector<16xf32>
    %get3A_737 = arith.constant 6 : i32
    %get3A_738 = arith.index_cast %get3A_737 : i32 to index
    %get3A_739 = arith.constant 240 : index
    %get3A_740 = tpu.vector_load %arg6[%get3A_738, %get3A_739] {strides = array<i32>} : memref<8x256xf32, #tpu.memory_space<vmem>>, vector<16xf32>,
    %mul3A_741 = arith.mulf %get3A_740, %get3A_740 : vector<16xf32>
    %add3A_742 = arith.addf %add3A_736, %mul3A_741 : vector<16xf32>
    %reduce_sum3A_743 = arith.constant true
    %reduce_sum3A_744 = vector.broadcast %reduce_sum3A_743 : i1 to vector<16xi1>
    %reduce_sum3A_745 = tpu.scan <sum>, %add3A_742 masked %reduce_sum3A_744 : vector<16xf32>, vector<16xi1> -> vector<16xf32>
    %reduce_sum3A_746 = vector.extract %reduce_sum3A_745[15] : f32 from vector<16xf32>
    %eq3A_747 = arith.constant 6 : i32
    %eq3A_748 = vector.broadcast %eq3A_747 : i32 to vector<16xi32>
    %eq3A_749 = arith.cmpi eq, %iota3A, %eq3A_748 : vector<16xi32>
    %broadcast_in_dim3A_750 = vector.broadcast %reduce_sum3A_746 : f32 to vector<16xf32>
    %select_n3A_751 = arith.select %eq3A_749, %broadcast_in_dim3A_750, %select_n3A_644 : vector<16xi1>, vector<16xf32>
    %broadcast_in_dim3A_752 = arith.constant 0.000000e+00 : f32
    %broadcast_in_dim3A_753 = vector.broadcast %broadcast_in_dim3A_752 : f32 to vector<16xf32>
    %get3A_754 = arith.constant 7 : i32
    %get3A_755 = arith.index_cast %get3A_754 : i32 to index
    %get3A_756 = arith.constant 0 : index
    %get3A_757 = tpu.vector_load %arg6[%get3A_755, %get3A_756] {strides = array<i32>} : memref<8x256xf32, #tpu.memory_space<vmem>>, vector<16xf32>,
    %mul3A_758 = arith.mulf %get3A_757, %get3A_757 : vector<16xf32>
    %add3A_759 = arith.addf %broadcast_in_dim3A_753, %mul3A_758 : vector<16xf32>
    %get3A_760 = arith.constant 7 : i32
    %get3A_761 = arith.index_cast %get3A_760 : i32 to index
    %get3A_762 = arith.constant 16 : index
    %get3A_763 = tpu.vector_load %arg6[%get3A_761, %get3A_762] {strides = array<i32>} : memref<8x256xf32, #tpu.memory_space<vmem>>, vector<16xf32>,
    %mul3A_764 = arith.mulf %get3A_763, %get3A_763 : vector<16xf32>
    %add3A_765 = arith.addf %add3A_759, %mul3A_764 : vector<16xf32>
    %get3A_766 = arith.constant 7 : i32
    %get3A_767 = arith.index_cast %get3A_766 : i32 to index
    %get3A_768 = arith.constant 32 : index
    %get3A_769 = tpu.vector_load %arg6[%get3A_767, %get3A_768] {strides = array<i32>} : memref<8x256xf32, #tpu.memory_space<vmem>>, vector<16xf32>,
    %mul3A_770 = arith.mulf %get3A_769, %get3A_769 : vector<16xf32>
    %add3A_771 = arith.addf %add3A_765, %mul3A_770 : vector<16xf32>
    %get3A_772 = arith.constant 7 : i32
    %get3A_773 = arith.index_cast %get3A_772 : i32 to index
    %get3A_774 = arith.constant 48 : index
    %get3A_775 = tpu.vector_load %arg6[%get3A_773, %get3A_774] {strides = array<i32>} : memref<8x256xf32, #tpu.memory_space<vmem>>, vector<16xf32>,
    %mul3A_776 = arith.mulf %get3A_775, %get3A_775 : vector<16xf32>
    %add3A_777 = arith.addf %add3A_771, %mul3A_776 : vector<16xf32>
    %get3A_778 = arith.constant 7 : i32
    %get3A_779 = arith.index_cast %get3A_778 : i32 to index
    %get3A_780 = arith.constant 64 : index
    %get3A_781 = tpu.vector_load %arg6[%get3A_779, %get3A_780] {strides = array<i32>} : memref<8x256xf32, #tpu.memory_space<vmem>>, vector<16xf32>,
    %mul3A_782 = arith.mulf %get3A_781, %get3A_781 : vector<16xf32>
    %add3A_783 = arith.addf %add3A_777, %mul3A_782 : vector<16xf32>
    %get3A_784 = arith.constant 7 : i32
    %get3A_785 = arith.index_cast %get3A_784 : i32 to index
    %get3A_786 = arith.constant 80 : index
    %get3A_787 = tpu.vector_load %arg6[%get3A_785, %get3A_786] {strides = array<i32>} : memref<8x256xf32, #tpu.memory_space<vmem>>, vector<16xf32>,
    %mul3A_788 = arith.mulf %get3A_787, %get3A_787 : vector<16xf32>
    %add3A_789 = arith.addf %add3A_783, %mul3A_788 : vector<16xf32>
    %get3A_790 = arith.constant 7 : i32
    %get3A_791 = arith.index_cast %get3A_790 : i32 to index
    %get3A_792 = arith.constant 96 : index
    %get3A_793 = tpu.vector_load %arg6[%get3A_791, %get3A_792] {strides = array<i32>} : memref<8x256xf32, #tpu.memory_space<vmem>>, vector<16xf32>,
    %mul3A_794 = arith.mulf %get3A_793, %get3A_793 : vector<16xf32>
    %add3A_795 = arith.addf %add3A_789, %mul3A_794 : vector<16xf32>
    %get3A_796 = arith.constant 7 : i32
    %get3A_797 = arith.index_cast %get3A_796 : i32 to index
    %get3A_798 = arith.constant 112 : index
    %get3A_799 = tpu.vector_load %arg6[%get3A_797, %get3A_798] {strides = array<i32>} : memref<8x256xf32, #tpu.memory_space<vmem>>, vector<16xf32>,
    %mul3A_800 = arith.mulf %get3A_799, %get3A_799 : vector<16xf32>
    %add3A_801 = arith.addf %add3A_795, %mul3A_800 : vector<16xf32>
    %get3A_802 = arith.constant 7 : i32
    %get3A_803 = arith.index_cast %get3A_802 : i32 to index
    %get3A_804 = arith.constant 128 : index
    %get3A_805 = tpu.vector_load %arg6[%get3A_803, %get3A_804] {strides = array<i32>} : memref<8x256xf32, #tpu.memory_space<vmem>>, vector<16xf32>,
    %mul3A_806 = arith.mulf %get3A_805, %get3A_805 : vector<16xf32>
    %add3A_807 = arith.addf %add3A_801, %mul3A_806 : vector<16xf32>
    %get3A_808 = arith.constant 7 : i32
    %get3A_809 = arith.index_cast %get3A_808 : i32 to index
    %get3A_810 = arith.constant 144 : index
    %get3A_811 = tpu.vector_load %arg6[%get3A_809, %get3A_810] {strides = array<i32>} : memref<8x256xf32, #tpu.memory_space<vmem>>, vector<16xf32>,
    %mul3A_812 = arith.mulf %get3A_811, %get3A_811 : vector<16xf32>
    %add3A_813 = arith.addf %add3A_807, %mul3A_812 : vector<16xf32>
    %get3A_814 = arith.constant 7 : i32
    %get3A_815 = arith.index_cast %get3A_814 : i32 to index
    %get3A_816 = arith.constant 160 : index
    %get3A_817 = tpu.vector_load %arg6[%get3A_815, %get3A_816] {strides = array<i32>} : memref<8x256xf32, #tpu.memory_space<vmem>>, vector<16xf32>,
    %mul3A_818 = arith.mulf %get3A_817, %get3A_817 : vector<16xf32>
    %add3A_819 = arith.addf %add3A_813, %mul3A_818 : vector<16xf32>
    %get3A_820 = arith.constant 7 : i32
    %get3A_821 = arith.index_cast %get3A_820 : i32 to index
    %get3A_822 = arith.constant 176 : index
    %get3A_823 = tpu.vector_load %arg6[%get3A_821, %get3A_822] {strides = array<i32>} : memref<8x256xf32, #tpu.memory_space<vmem>>, vector<16xf32>,
    %mul3A_824 = arith.mulf %get3A_823, %get3A_823 : vector<16xf32>
    %add3A_825 = arith.addf %add3A_819, %mul3A_824 : vector<16xf32>
    %get3A_826 = arith.constant 7 : i32
    %get3A_827 = arith.index_cast %get3A_826 : i32 to index
    %get3A_828 = arith.constant 192 : index
    %get3A_829 = tpu.vector_load %arg6[%get3A_827, %get3A_828] {strides = array<i32>} : memref<8x256xf32, #tpu.memory_space<vmem>>, vector<16xf32>,
    %mul3A_830 = arith.mulf %get3A_829, %get3A_829 : vector<16xf32>
    %add3A_831 = arith.addf %add3A_825, %mul3A_830 : vector<16xf32>
    %get3A_832 = arith.constant 7 : i32
    %get3A_833 = arith.index_cast %get3A_832 : i32 to index
    %get3A_834 = arith.constant 208 : index
    %get3A_835 = tpu.vector_load %arg6[%get3A_833, %get3A_834] {strides = array<i32>} : memref<8x256xf32, #tpu.memory_space<vmem>>, vector<16xf32>,
    %mul3A_836 = arith.mulf %get3A_835, %get3A_835 : vector<16xf32>
    %add3A_837 = arith.addf %add3A_831, %mul3A_836 : vector<16xf32>
    %get3A_838 = arith.constant 7 : i32
    %get3A_839 = arith.index_cast %get3A_838 : i32 to index
    %get3A_840 = arith.constant 224 : index
    %get3A_841 = tpu.vector_load %arg6[%get3A_839, %get3A_840] {strides = array<i32>} : memref<8x256xf32, #tpu.memory_space<vmem>>, vector<16xf32>,
    %mul3A_842 = arith.mulf %get3A_841, %get3A_841 : vector<16xf32>
    %add3A_843 = arith.addf %add3A_837, %mul3A_842 : vector<16xf32>
    %get3A_844 = arith.constant 7 : i32
    %get3A_845 = arith.index_cast %get3A_844 : i32 to index
    %get3A_846 = arith.constant 240 : index
    %get3A_847 = tpu.vector_load %arg6[%get3A_845, %get3A_846] {strides = array<i32>} : memref<8x256xf32, #tpu.memory_space<vmem>>, vector<16xf32>,
    %mul3A_848 = arith.mulf %get3A_847, %get3A_847 : vector<16xf32>
    %add3A_849 = arith.addf %add3A_843, %mul3A_848 : vector<16xf32>
    %reduce_sum3A_850 = arith.constant true
    %reduce_sum3A_851 = vector.broadcast %reduce_sum3A_850 : i1 to vector<16xi1>
    %reduce_sum3A_852 = tpu.scan <sum>, %add3A_849 masked %reduce_sum3A_851 : vector<16xf32>, vector<16xi1> -> vector<16xf32>
    %reduce_sum3A_853 = vector.extract %reduce_sum3A_852[15] : f32 from vector<16xf32>
    %eq3A_854 = arith.constant 7 : i32
    %eq3A_855 = vector.broadcast %eq3A_854 : i32 to vector<16xi32>
    %eq3A_856 = arith.cmpi eq, %iota3A, %eq3A_855 : vector<16xi32>
    %broadcast_in_dim3A_857 = vector.broadcast %reduce_sum3A_853 : f32 to vector<16xf32>
    %select_n3A_858 = arith.select %eq3A_856, %broadcast_in_dim3A_857, %select_n3A_751 : vector<16xi1>, vector<16xf32>
    %bitcast_convert_type3A = tpu.bitcast %select_n3A_858 : vector<16xf32> -> vector<16xi32>
    %shift_right_arithmetic3A = arith.constant 1 : i32
    %shift_right_arithmetic3A_859 = vector.broadcast %shift_right_arithmetic3A : i32 to vector<16xi32>
    %shift_right_arithmetic3A_860 = arith.shrsi %bitcast_convert_type3A, %shift_right_arithmetic3A_859 : vector<16xi32>
    %sub3A = arith.constant 1597463007 : i32
    %sub3A_861 = vector.broadcast %sub3A : i32 to vector<16xi32>
    %sub3A_862 = arith.subi %sub3A_861, %shift_right_arithmetic3A_860 : vector<16xi32>
    %bitcast_convert_type3A_863 = tpu.bitcast %sub3A_862 : vector<16xi32> -> vector<16xf32>
    %mul3A_864 = arith.constant 5.000000e-01 : f32
    %mul3A_865 = vector.broadcast %mul3A_864 : f32 to vector<16xf32>
    %mul3A_866 = arith.mulf %mul3A_865, %select_n3A_858 : vector<16xf32>
    %mul3A_867 = arith.mulf %mul3A_866, %bitcast_convert_type3A_863 : vector<16xf32>
    %mul3A_868 = arith.mulf %mul3A_867, %bitcast_convert_type3A_863 : vector<16xf32>
    %sub3A_869 = arith.constant 1.500000e+00 : f32
    %sub3A_870 = vector.broadcast %sub3A_869 : f32 to vector<16xf32>
    %sub3A_871 = arith.subf %sub3A_870, %mul3A_868 : vector<16xf32>
    %mul3A_872 = arith.mulf %bitcast_convert_type3A_863, %sub3A_871 : vector<16xf32>
    %mul3A_873 = arith.constant 5.000000e-01 : f32
    %mul3A_874 = vector.broadcast %mul3A_873 : f32 to vector<16xf32>
    %mul3A_875 = arith.mulf %mul3A_874, %select_n3A_858 : vector<16xf32>
    %mul3A_876 = arith.mulf %mul3A_875, %mul3A_872 : vector<16xf32>
    %mul3A_877 = arith.mulf %mul3A_876, %mul3A_872 : vector<16xf32>
    %sub3A_878 = arith.constant 1.500000e+00 : f32
    %sub3A_879 = vector.broadcast %sub3A_878 : f32 to vector<16xf32>
    %sub3A_880 = arith.subf %sub3A_879, %mul3A_877 : vector<16xf32>
    %mul3A_881 = arith.mulf %mul3A_872, %sub3A_880 : vector<16xf32>
    %mul3A_882 = arith.constant 5.000000e-01 : f32
    %mul3A_883 = vector.broadcast %mul3A_882 : f32 to vector<16xf32>
    %mul3A_884 = arith.mulf %mul3A_883, %select_n3A_858 : vector<16xf32>
    %mul3A_885 = arith.mulf %mul3A_884, %mul3A_881 : vector<16xf32>
    %mul3A_886 = arith.mulf %mul3A_885, %mul3A_881 : vector<16xf32>
    %sub3A_887 = arith.constant 1.500000e+00 : f32
    %sub3A_888 = vector.broadcast %sub3A_887 : f32 to vector<16xf32>
    %sub3A_889 = arith.subf %sub3A_888, %mul3A_886 : vector<16xf32>
    %mul3A_890 = arith.mulf %mul3A_881, %sub3A_889 : vector<16xf32>
    %mul3A_891 = arith.constant 5.000000e-01 : f32
    %mul3A_892 = vector.broadcast %mul3A_891 : f32 to vector<16xf32>
    %mul3A_893 = arith.mulf %mul3A_892, %select_n3A_858 : vector<16xf32>
    %mul3A_894 = arith.mulf %mul3A_893, %mul3A_890 : vector<16xf32>
    %mul3A_895 = arith.mulf %mul3A_894, %mul3A_890 : vector<16xf32>
    %sub3A_896 = arith.constant 1.500000e+00 : f32
    %sub3A_897 = vector.broadcast %sub3A_896 : f32 to vector<16xf32>
    %sub3A_898 = arith.subf %sub3A_897, %mul3A_895 : vector<16xf32>
    %mul3A_899 = arith.mulf %mul3A_890, %sub3A_898 : vector<16xf32>
    %mul3A_900 = arith.mulf %select_n3A_858, %mul3A_899 : vector<16xf32>
    %min3A = arith.constant 0.999989986 : f32
    %min3A_901 = vector.broadcast %min3A : f32 to vector<16xf32>
    %min3A_902 = arith.minimumf %mul3A_900, %min3A_901 : vector<16xf32>
    %swap3A = arith.constant 0 : index
    %swap3A_903 = tpu.vector_load %arg7[%swap3A] {strides = array<i32>} : memref<128xf32, #tpu.memory_space<vmem>>, vector<16xf32>,
    tpu.vector_store %arg7[%swap3A], %min3A_902 {strides = array<i32>} : memref<128xf32, #tpu.memory_space<vmem>>, vector<16xf32>,
    %eq3A_904 = arith.constant 1 : i32
    %eq3A_905 = arith.cmpi eq, %shift_right_logical3A_1, %eq3A_904 : i32
    %convert_element_type3A = arith.extui %eq3A_905 : i1 to i32
    %cond3A = arith.constant 0 : i32
    %cond3A_906 = arith.cmpi ne, %convert_element_type3A, %cond3A : i32
    scf.if %cond3A_906 {
      "tpu.region"() ({
        %run_scoped3A = tpu.sem_alloc : memref<!tpu.dma_semaphore, #tpu.memory_space<semaphore_mem>>
        %dma_start3A_918 = arith.constant 0 : i32
        %dma_start3A_919 = tpu.memref_slice %arg7[%dma_start3A_918] : memref<128xf32, #tpu.memory_space<vmem>> -> memref<8xf32, #tpu.memory_space<vmem>>
        %dma_start3A_920 = arith.constant 0 : i32
        %dma_start3A_921 = tpu.memref_slice %arg10[%and3A_0, %dma_start3A_920] : memref<8x128xf32, #tpu.memory_space<vmem_shared>> -> memref<1x8xf32, #tpu.memory_space<vmem_shared>>
        %dma_start3A_922 = tpu.memref_squeeze %dma_start3A_921 : memref<1x8xf32, #tpu.memory_space<vmem_shared>> -> memref<8xf32, #tpu.memory_space<vmem_shared>>
        %dma_start3A_923 = arith.constant 0 : i32
        %dma_start3A_924 = tpu.memref_slice %arg10[%and3A_0, %dma_start3A_923] : memref<8x128xf32, #tpu.memory_space<vmem_shared>> -> memref<1x8xf32, #tpu.memory_space<vmem_shared>>
        %dma_start3A_925 = tpu.memref_squeeze %dma_start3A_924 : memref<1x8xf32, #tpu.memory_space<vmem_shared>> -> memref<8xf32, #tpu.memory_space<vmem_shared>>
        %dma_start3A_926 = arith.constant 0 : i32
        %dma_start3A_927 = tpu.memref_slice %arg7[%dma_start3A_926] : memref<128xf32, #tpu.memory_space<vmem>> -> memref<8xf32, #tpu.memory_space<vmem>>
        tpu.enqueue_dma source(%dma_start3A_927 : memref<8xf32, #tpu.memory_space<vmem>>) target(%dma_start3A_925 : memref<8xf32, #tpu.memory_space<vmem_shared>>) target_semaphore(%run_scoped3A : memref<!tpu.dma_semaphore, #tpu.memory_space<semaphore_mem>>)
        %dma_wait3A_928 = arith.constant 0 : i32
        %dma_wait3A_929 = tpu.memref_slice %arg7[%dma_wait3A_928] : memref<128xf32, #tpu.memory_space<vmem>> -> memref<8xf32, #tpu.memory_space<vmem>>
        %dma_wait3A_930 = arith.constant 0 : i32
        %dma_wait3A_931 = tpu.memref_slice %arg10[%and3A_0, %dma_wait3A_930] : memref<8x128xf32, #tpu.memory_space<vmem_shared>> -> memref<1x8xf32, #tpu.memory_space<vmem_shared>>
        %dma_wait3A_932 = tpu.memref_squeeze %dma_wait3A_931 : memref<1x8xf32, #tpu.memory_space<vmem_shared>> -> memref<8xf32, #tpu.memory_space<vmem_shared>>
        %dma_wait3A_933 = arith.constant 0 : i32
        %dma_wait3A_934 = tpu.memref_slice %arg10[%and3A_0, %dma_wait3A_933] : memref<8x128xf32, #tpu.memory_space<vmem_shared>> -> memref<1x8xf32, #tpu.memory_space<vmem_shared>>
        %dma_wait3A_935 = tpu.memref_squeeze %dma_wait3A_934 : memref<1x8xf32, #tpu.memory_space<vmem_shared>> -> memref<8xf32, #tpu.memory_space<vmem_shared>>
        %dma_wait3A_936 = arith.constant 0 : i32
        %dma_wait3A_937 = tpu.memref_slice %arg7[%dma_wait3A_936] : memref<128xf32, #tpu.memory_space<vmem>> -> memref<8xf32, #tpu.memory_space<vmem>>
        tpu.wait_dma2 semaphore(%run_scoped3A : memref<!tpu.dma_semaphore, #tpu.memory_space<semaphore_mem>>) src(%dma_wait3A_937 : memref<8xf32, #tpu.memory_space<vmem>>) dst(%dma_wait3A_935 : memref<8xf32, #tpu.memory_space<vmem_shared>>)
        tpu.yield
      }) : () -> ()
    } else {
    }
    %barrier3A = arith.constant 0 : index
    tpu.barrier barrier_id(%barrier3A)
    %eq3A_907 = arith.constant 0 : i32
    %eq3A_908 = arith.cmpi eq, %shift_right_logical3A_1, %eq3A_907 : i32
    %convert_element_type3A_909 = arith.extui %eq3A_908 : i1 to i32
    %cond3A_910 = arith.constant 0 : i32
    %cond3A_911 = arith.cmpi ne, %convert_element_type3A_909, %cond3A_910 : i32
    scf.if %cond3A_911 {
      "tpu.region"() ({
        %run_scoped3A = tpu.sem_alloc : memref<!tpu.dma_semaphore, #tpu.memory_space<semaphore_mem>>
        %dma_start3A_969 = arith.constant 8 : i32
        %dma_start3A_970 = tpu.memref_slice %arg7[%dma_start3A_969] : memref<128xf32, #tpu.memory_space<vmem>> -> memref<8xf32, #tpu.memory_space<vmem>>
        %dma_start3A_971 = arith.constant 0 : i32
        %dma_start3A_972 = tpu.memref_slice %arg10[%and3A_0, %dma_start3A_971] : memref<8x128xf32, #tpu.memory_space<vmem_shared>> -> memref<1x8xf32, #tpu.memory_space<vmem_shared>>
        %dma_start3A_973 = tpu.memref_squeeze %dma_start3A_972 : memref<1x8xf32, #tpu.memory_space<vmem_shared>> -> memref<8xf32, #tpu.memory_space<vmem_shared>>
        %dma_start3A_974 = arith.constant 8 : i32
        %dma_start3A_975 = tpu.memref_slice %arg7[%dma_start3A_974] : memref<128xf32, #tpu.memory_space<vmem>> -> memref<8xf32, #tpu.memory_space<vmem>>
        %dma_start3A_976 = arith.constant 0 : i32
        %dma_start3A_977 = tpu.memref_slice %arg10[%and3A_0, %dma_start3A_976] : memref<8x128xf32, #tpu.memory_space<vmem_shared>> -> memref<1x8xf32, #tpu.memory_space<vmem_shared>>
        %dma_start3A_978 = tpu.memref_squeeze %dma_start3A_977 : memref<1x8xf32, #tpu.memory_space<vmem_shared>> -> memref<8xf32, #tpu.memory_space<vmem_shared>>
        tpu.enqueue_dma source(%dma_start3A_978 : memref<8xf32, #tpu.memory_space<vmem_shared>>) target(%dma_start3A_975 : memref<8xf32, #tpu.memory_space<vmem>>) target_semaphore(%run_scoped3A : memref<!tpu.dma_semaphore, #tpu.memory_space<semaphore_mem>>)
        %dma_wait3A_979 = arith.constant 8 : i32
        %dma_wait3A_980 = tpu.memref_slice %arg7[%dma_wait3A_979] : memref<128xf32, #tpu.memory_space<vmem>> -> memref<8xf32, #tpu.memory_space<vmem>>
        %dma_wait3A_981 = arith.constant 0 : i32
        %dma_wait3A_982 = tpu.memref_slice %arg10[%and3A_0, %dma_wait3A_981] : memref<8x128xf32, #tpu.memory_space<vmem_shared>> -> memref<1x8xf32, #tpu.memory_space<vmem_shared>>
        %dma_wait3A_983 = tpu.memref_squeeze %dma_wait3A_982 : memref<1x8xf32, #tpu.memory_space<vmem_shared>> -> memref<8xf32, #tpu.memory_space<vmem_shared>>
        %dma_wait3A_984 = arith.constant 8 : i32
        %dma_wait3A_985 = tpu.memref_slice %arg7[%dma_wait3A_984] : memref<128xf32, #tpu.memory_space<vmem>> -> memref<8xf32, #tpu.memory_space<vmem>>
        %dma_wait3A_986 = arith.constant 0 : i32
        %dma_wait3A_987 = tpu.memref_slice %arg10[%and3A_0, %dma_wait3A_986] : memref<8x128xf32, #tpu.memory_space<vmem_shared>> -> memref<1x8xf32, #tpu.memory_space<vmem_shared>>
        %dma_wait3A_988 = tpu.memref_squeeze %dma_wait3A_987 : memref<1x8xf32, #tpu.memory_space<vmem_shared>> -> memref<8xf32, #tpu.memory_space<vmem_shared>>
        tpu.wait_dma2 semaphore(%run_scoped3A : memref<!tpu.dma_semaphore, #tpu.memory_space<semaphore_mem>>) src(%dma_wait3A_988 : memref<8xf32, #tpu.memory_space<vmem_shared>>) dst(%dma_wait3A_985 : memref<8xf32, #tpu.memory_space<vmem>>)
        tpu.yield
      }) : () -> ()
      %get3A_918 = arith.constant 0 : index
      %get3A_919 = tpu.vector_load %arg7[%get3A_918] {strides = array<i32>} : memref<128xf32, #tpu.memory_space<vmem>>, vector<16xf32>,
      %sort3A = arith.constant dense<true> : vector<16xi1>
      %sort3A_920, %sort3A_921, %sort3A_922 = tpu.sort %get3A_919, %get3A_919 masked %sort3A : (vector<16xf32>, vector<16xf32>, vector<16xi1>) -> (vector<16xi1>, vector<16xf32>, vector<16xf32>)
      %eq3A_923 = arith.constant 13 : i32
      %eq3A_924 = vector.broadcast %eq3A_923 : i32 to vector<16xi32>
      %eq3A_925 = arith.cmpi eq, %iota3A, %eq3A_924 : vector<16xi32>
      %eq3A_926 = arith.constant 14 : i32
      %eq3A_927 = vector.broadcast %eq3A_926 : i32 to vector<16xi32>
      %eq3A_928 = arith.cmpi eq, %iota3A, %eq3A_927 : vector<16xi32>
      %or3A = arith.ori %eq3A_925, %eq3A_928 : vector<16xi1>
      %jit3A = arith.constant 0.000000e+00 : f32
      %broadcast_in_dim3A_929 = vector.broadcast %jit3A : f32 to vector<16xf32>
      %select_n3A_930 = arith.select %or3A, %sort3A_921, %broadcast_in_dim3A_929 : vector<16xi1>, vector<16xf32>
      %reduce_sum3A_931 = arith.constant true
      %reduce_sum3A_932 = vector.broadcast %reduce_sum3A_931 : i1 to vector<16xi1>
      %reduce_sum3A_933 = tpu.scan <sum>, %select_n3A_930 masked %reduce_sum3A_932 : vector<16xf32>, vector<16xi1> -> vector<16xf32>
      %reduce_sum3A_934 = vector.extract %reduce_sum3A_933[15] : f32 from vector<16xf32>
      %eq3A_935 = arith.constant 1 : i32
      %eq3A_936 = vector.broadcast %eq3A_935 : i32 to vector<16xi32>
      %eq3A_937 = arith.cmpi eq, %iota3A, %eq3A_936 : vector<16xi32>
      %eq3A_938 = arith.constant 2 : i32
      %eq3A_939 = vector.broadcast %eq3A_938 : i32 to vector<16xi32>
      %eq3A_940 = arith.cmpi eq, %iota3A, %eq3A_939 : vector<16xi32>
      %or3A_941 = arith.ori %eq3A_937, %eq3A_940 : vector<16xi1>
      %jit3A_942 = arith.constant 0.000000e+00 : f32
      %broadcast_in_dim3A_943 = vector.broadcast %jit3A_942 : f32 to vector<16xf32>
      %select_n3A_944 = arith.select %or3A_941, %sort3A_921, %broadcast_in_dim3A_943 : vector<16xi1>, vector<16xf32>
      %reduce_sum3A_945 = arith.constant true
      %reduce_sum3A_946 = vector.broadcast %reduce_sum3A_945 : i1 to vector<16xi1>
      %reduce_sum3A_947 = tpu.scan <sum>, %select_n3A_944 masked %reduce_sum3A_946 : vector<16xf32>, vector<16xi1> -> vector<16xf32>
      %reduce_sum3A_948 = vector.extract %reduce_sum3A_947[15] : f32 from vector<16xf32>
      %eq3A_949 = arith.constant 0 : i32
      %eq3A_950 = vector.broadcast %eq3A_949 : i32 to vector<16xi32>
      %eq3A_951 = arith.cmpi eq, %iota3A, %eq3A_950 : vector<16xi32>
      %broadcast_in_dim3A_952 = vector.broadcast %reduce_sum3A_934 : f32 to vector<16xf32>
      %mul3A_953 = arith.constant 5.000000e-01 : f32
      %mul3A_954 = vector.broadcast %mul3A_953 : f32 to vector<16xf32>
      %mul3A_955 = arith.mulf %broadcast_in_dim3A_952, %mul3A_954 : vector<16xf32>
      %eq3A_956 = arith.constant 1 : i32
      %eq3A_957 = vector.broadcast %eq3A_956 : i32 to vector<16xi32>
      %eq3A_958 = arith.cmpi eq, %iota3A, %eq3A_957 : vector<16xi32>
      %broadcast_in_dim3A_959 = vector.broadcast %reduce_sum3A_948 : f32 to vector<16xf32>
      %mul3A_960 = arith.constant 5.000000e-01 : f32
      %mul3A_961 = vector.broadcast %mul3A_960 : f32 to vector<16xf32>
      %mul3A_962 = arith.mulf %broadcast_in_dim3A_959, %mul3A_961 : vector<16xf32>
      %jit3A_963 = arith.constant 0.000000e+00 : f32
      %broadcast_in_dim3A_964 = vector.broadcast %jit3A_963 : f32 to vector<16xf32>
      %select_n3A_965 = arith.select %eq3A_958, %mul3A_962, %broadcast_in_dim3A_964 : vector<16xi1>, vector<16xf32>
      %select_n3A_966 = arith.select %eq3A_951, %mul3A_955, %select_n3A_965 : vector<16xi1>, vector<16xf32>
      %swap3A_967 = arith.constant 0 : index
      %swap3A_968 = tpu.vector_load %arg7[%swap3A_967] {strides = array<i32>} : memref<128xf32, #tpu.memory_space<vmem>>, vector<16xf32>,
      tpu.vector_store %arg7[%swap3A_967], %select_n3A_966 {strides = array<i32>} : memref<128xf32, #tpu.memory_space<vmem>>, vector<16xf32>,
      "tpu.region"() ({
        %run_scoped3A = tpu.sem_alloc : memref<!tpu.dma_semaphore, #tpu.memory_space<semaphore_mem>>
        %dma_start3A_969 = arith.constant 0 : i32
        %dma_start3A_970 = tpu.memref_slice %arg7[%dma_start3A_969] : memref<128xf32, #tpu.memory_space<vmem>> -> memref<16xf32, #tpu.memory_space<vmem>>
        %dma_start3A_971 = arith.constant 0 : i32
        %dma_start3A_972 = tpu.memref_slice %arg9[%and3A_0, %dma_start3A_971] : memref<8x128xf32, #tpu.memory_space<vmem_shared>> -> memref<1x16xf32, #tpu.memory_space<vmem_shared>>
        %dma_start3A_973 = tpu.memref_squeeze %dma_start3A_972 : memref<1x16xf32, #tpu.memory_space<vmem_shared>> -> memref<16xf32, #tpu.memory_space<vmem_shared>>
        %dma_start3A_974 = arith.constant 0 : i32
        %dma_start3A_975 = tpu.memref_slice %arg9[%and3A_0, %dma_start3A_974] : memref<8x128xf32, #tpu.memory_space<vmem_shared>> -> memref<1x16xf32, #tpu.memory_space<vmem_shared>>
        %dma_start3A_976 = tpu.memref_squeeze %dma_start3A_975 : memref<1x16xf32, #tpu.memory_space<vmem_shared>> -> memref<16xf32, #tpu.memory_space<vmem_shared>>
        %dma_start3A_977 = arith.constant 0 : i32
        %dma_start3A_978 = tpu.memref_slice %arg7[%dma_start3A_977] : memref<128xf32, #tpu.memory_space<vmem>> -> memref<16xf32, #tpu.memory_space<vmem>>
        tpu.enqueue_dma source(%dma_start3A_978 : memref<16xf32, #tpu.memory_space<vmem>>) target(%dma_start3A_976 : memref<16xf32, #tpu.memory_space<vmem_shared>>) target_semaphore(%run_scoped3A : memref<!tpu.dma_semaphore, #tpu.memory_space<semaphore_mem>>)
        %dma_wait3A_979 = arith.constant 0 : i32
        %dma_wait3A_980 = tpu.memref_slice %arg7[%dma_wait3A_979] : memref<128xf32, #tpu.memory_space<vmem>> -> memref<16xf32, #tpu.memory_space<vmem>>
        %dma_wait3A_981 = arith.constant 0 : i32
        %dma_wait3A_982 = tpu.memref_slice %arg9[%and3A_0, %dma_wait3A_981] : memref<8x128xf32, #tpu.memory_space<vmem_shared>> -> memref<1x16xf32, #tpu.memory_space<vmem_shared>>
        %dma_wait3A_983 = tpu.memref_squeeze %dma_wait3A_982 : memref<1x16xf32, #tpu.memory_space<vmem_shared>> -> memref<16xf32, #tpu.memory_space<vmem_shared>>
        %dma_wait3A_984 = arith.constant 0 : i32
        %dma_wait3A_985 = tpu.memref_slice %arg9[%and3A_0, %dma_wait3A_984] : memref<8x128xf32, #tpu.memory_space<vmem_shared>> -> memref<1x16xf32, #tpu.memory_space<vmem_shared>>
        %dma_wait3A_986 = tpu.memref_squeeze %dma_wait3A_985 : memref<1x16xf32, #tpu.memory_space<vmem_shared>> -> memref<16xf32, #tpu.memory_space<vmem_shared>>
        %dma_wait3A_987 = arith.constant 0 : i32
        %dma_wait3A_988 = tpu.memref_slice %arg7[%dma_wait3A_987] : memref<128xf32, #tpu.memory_space<vmem>> -> memref<16xf32, #tpu.memory_space<vmem>>
        tpu.wait_dma2 semaphore(%run_scoped3A : memref<!tpu.dma_semaphore, #tpu.memory_space<semaphore_mem>>) src(%dma_wait3A_988 : memref<16xf32, #tpu.memory_space<vmem>>) dst(%dma_wait3A_986 : memref<16xf32, #tpu.memory_space<vmem_shared>>)
        tpu.yield
      }) : () -> ()
    } else {
    }
    %barrier3A_912 = arith.constant 0 : index
    tpu.barrier barrier_id(%barrier3A_912)
    %eq3A_913 = arith.constant 0 : i32
    %eq3A_914 = arith.cmpi eq, %arg1, %eq3A_913 : i32
    %convert_element_type3A_915 = arith.extui %eq3A_914 : i1 to i32
    %cond3A_916 = arith.constant 0 : i32
    %cond3A_917 = arith.cmpi ne, %convert_element_type3A_915, %cond3A_916 : i32
    scf.if %cond3A_917 {
      "tpu.region"() ({
        %run_scoped3A = tpu.sem_alloc : memref<!tpu.dma_semaphore, #tpu.memory_space<semaphore_mem>>
        tpu.enqueue_dma source(%arg9 : memref<8x128xf32, #tpu.memory_space<vmem_shared>>) target(%arg8 : memref<8x128xf32, #tpu.memory_space<vmem>>) target_semaphore(%run_scoped3A : memref<!tpu.dma_semaphore, #tpu.memory_space<semaphore_mem>>)
        tpu.wait_dma2 semaphore(%run_scoped3A : memref<!tpu.dma_semaphore, #tpu.memory_space<semaphore_mem>>) src(%arg9 : memref<8x128xf32, #tpu.memory_space<vmem_shared>>) dst(%arg8 : memref<8x128xf32, #tpu.memory_space<vmem>>)
        tpu.yield
      }) : () -> ()
      %and3A_918 = arith.constant 7 : i32
      %and3A_919 = vector.broadcast %and3A_918 : i32 to vector<16xi32>
      %and3A_920 = arith.andi %iota3A, %and3A_919 : vector<16xi32>
      %broadcast_in_dim3A_921 = arith.constant 0 : i32
      %broadcast_in_dim3A_922 = vector.broadcast %broadcast_in_dim3A_921 : i32 to vector<16xi32>
      %gather3A = tpu.vector_load_idx %arg8[%and3A_920, %broadcast_in_dim3A_922] : memref<8x128xf32, #tpu.memory_space<vmem>>[vector<16xi32>, vector<16xi32>], vector<16xf32>,
      %add3A_923 = arith.constant 1 : i32
      %add3A_924 = vector.broadcast %add3A_923 : i32 to vector<16xi32>
      %add3A_925 = arith.addi %iota3A, %add3A_924 : vector<16xi32>
      %min3A_926 = arith.constant 7 : i32
      %min3A_927 = vector.broadcast %min3A_926 : i32 to vector<16xi32>
      %min3A_928 = arith.minsi %add3A_925, %min3A_927 : vector<16xi32>
      %broadcast_in_dim3A_929 = arith.constant 1 : i32
      %broadcast_in_dim3A_930 = vector.broadcast %broadcast_in_dim3A_929 : i32 to vector<16xi32>
      %gather3A_931 = tpu.vector_load_idx %arg8[%min3A_928, %broadcast_in_dim3A_930] : memref<8x128xf32, #tpu.memory_space<vmem>>[vector<16xi32>, vector<16xi32>], vector<16xf32>,
      %add3A_932 = arith.constant 1.000000e-03 : f32
      %add3A_933 = vector.broadcast %add3A_932 : f32 to vector<16xf32>
      %add3A_934 = arith.addf %gather3A, %add3A_933 : vector<16xf32>
      %sub3A_935 = arith.subf %add3A_934, %gather3A_931 : vector<16xf32>
      %max3A = arith.constant 0.000000e+00 : f32
      %max3A_936 = vector.broadcast %max3A : f32 to vector<16xf32>
      %max3A_937 = arith.maximumf %sub3A_935, %max3A_936 : vector<16xf32>
      %lt3A = arith.constant 7 : i32
      %lt3A_938 = vector.broadcast %lt3A : i32 to vector<16xi32>
      %lt3A_939 = arith.cmpi slt, %iota3A, %lt3A_938 : vector<16xi32>
      %jit3A = arith.constant 0.000000e+00 : f32
      %broadcast_in_dim3A_940 = vector.broadcast %jit3A : f32 to vector<16xf32>
      %select_n3A_941 = arith.select %lt3A_939, %max3A_937, %broadcast_in_dim3A_940 : vector<16xi1>, vector<16xf32>
      %reduce_sum3A_942 = arith.constant true
      %reduce_sum3A_943 = vector.broadcast %reduce_sum3A_942 : i1 to vector<16xi1>
      %reduce_sum3A_944 = tpu.scan <sum>, %select_n3A_941 masked %reduce_sum3A_943 : vector<16xf32>, vector<16xi1> -> vector<16xf32>
      %reduce_sum3A_945 = vector.extract %reduce_sum3A_944[15] : f32 from vector<16xf32>
      %broadcast_in_dim3A_946 = vector.broadcast %reduce_sum3A_945 : f32 to vector<16xf32>
      %div3A = arith.constant 7.000000e+00 : f32
      %div3A_947 = vector.broadcast %div3A : f32 to vector<16xf32>
      %div3A_948 = arith.divf %broadcast_in_dim3A_946, %div3A_947 : vector<16xf32>
      %swap3A_949 = arith.constant 0 : index
      %swap3A_950 = tpu.vector_load %arg7[%swap3A_949] {strides = array<i32>} : memref<128xf32, #tpu.memory_space<vmem>>, vector<16xf32>,
      tpu.vector_store %arg7[%swap3A_949], %div3A_948 {strides = array<i32>} : memref<128xf32, #tpu.memory_space<vmem>>, vector<16xf32>,
      "tpu.region"() ({
        %run_scoped3A = tpu.sem_alloc : memref<!tpu.dma_semaphore, #tpu.memory_space<semaphore_mem>>
        %dma_start3A_951 = arith.constant 0 : i32
        %dma_start3A_952 = tpu.memref_slice %arg7[%dma_start3A_951] : memref<128xf32, #tpu.memory_space<vmem>> -> memref<16xf32, #tpu.memory_space<vmem>>
        %dma_start3A_953 = arith.constant 0 : i32
        %dma_start3A_954 = tpu.memref_slice %arg7[%dma_start3A_953] : memref<128xf32, #tpu.memory_space<vmem>> -> memref<16xf32, #tpu.memory_space<vmem>>
        tpu.enqueue_dma source(%dma_start3A_954 : memref<16xf32, #tpu.memory_space<vmem>>) target(%arg4 : memref<16xf32, #tpu.memory_space<hbm>>) target_semaphore(%run_scoped3A : memref<!tpu.dma_semaphore, #tpu.memory_space<semaphore_mem>>)
        %dma_wait3A_955 = arith.constant 0 : i32
        %dma_wait3A_956 = tpu.memref_slice %arg7[%dma_wait3A_955] : memref<128xf32, #tpu.memory_space<vmem>> -> memref<16xf32, #tpu.memory_space<vmem>>
        %dma_wait3A_957 = arith.constant 0 : i32
        %dma_wait3A_958 = tpu.memref_slice %arg7[%dma_wait3A_957] : memref<128xf32, #tpu.memory_space<vmem>> -> memref<16xf32, #tpu.memory_space<vmem>>
        tpu.wait_dma2 semaphore(%run_scoped3A : memref<!tpu.dma_semaphore, #tpu.memory_space<semaphore_mem>>) src(%dma_wait3A_958 : memref<16xf32, #tpu.memory_space<vmem>>) dst(%arg4 : memref<16xf32, #tpu.memory_space<hbm>>)
        tpu.yield
      }) : () -> ()
    } else {
    }
    return
  }
}

</mosaic_0001>

<sc_bundles>
// kernel: kernel.3.cloned.1.call-start
scs
__scs_entry_jumppad:
0x0: {  	(pc) =	sbr.rel $0x88, $3  }
0x1: {  	(tag) =	ssettag $0x0;
	lr =	simm.s32 $0x1  }
0x2: {  	[smem:$0x3F9F] =	sst lr;
	_ =	strace $0xD0000000  }
0x3: {  	_ = 	snop  }
0x4: {  	_ = 	snop  }
0x5: {  	_ = 	snop  }
0x6: {  	_ = 	snop  }
0x7: {  	_ = 	snop  }
__scs_overlays_trampoline_lowered:
0x8: {  	[smem:$0x3FAE] =	sst s0  }
0x9: {  	[smem:$0x3FAF] =	sst s1  }
0xa: {  	[smem:$0x3FB0] =	sst s2  }
0xb: {  	[smem:$0x3FB1] =	sst s3  }
0xc: {  	[smem:$0x3FB2] =	sst s4  }
0xd: {  	[smem:$0x3FB3] =	sst s5  }
0xe: {  	[smem:$0x3FB4] =	sst s6  }
0xf: {  	[smem:$0x3FB5] =	sst s7  }
0x10: {  	[smem:$0x3FB6] =	sst s8  }
0x11: {  	[smem:$0x3FB7] =	sst s9;
	s0 =	simm.s32 @!p0 $0x0  }
0x12: {  	s1 =	sld [smem:$0x3F9D];
	s0 =	simm.s32 @p0 $0x1  }
0x13: {  	[smem:$0x3FB8] =	sst s0;
	s0 =	simm.s32 @!p1 $0x0  }
0x14: {  	s2 =	sld [smem:$0x3F9C];
	s0 =	simm.s32 @p1 $0x1  }
0x15: {  	[smem:$0x3FB9] =	sst s0;
	s0 =	simm.s32 @!p2 $0x0  }
0x16: {  	s3 =	sld [smem:$0x3FDB];
	s0 =	simm.s32 @p2 $0x1  }
0x17: {  	s4 =	simm.s32 $0x1BF5;
	[smem:$0x3FBB] =	sst s0  }
0x18: {  	s0 =	sld [smem:$0x3F9E];
	_ =	swait.ge [sflag:s4], $0x0  }
0x19: {  	s7 =	sld [smem:$0x3F9F]  }
0x1a: {  	s8 =	sadd.s32 $0xFFFFE003, lr  }
0x1b: {  	s9 =	sadd.s32 $0xFFFFFEF7, lr;
	s5 =	simm.s32 $0xFFFFFFFF;
	p2 =	slt.u32 s8, $0xFFFFF086  }
0x1c: {  	p1 =	slt.u32 s9, $0xF7A;
	s5 =	simm.s32 @!p2 $0x0  }
0x1d: {  	s5 =	simm.s32 @p1 $0x1;
	p0 =	seq.s32 s7, s2  }
0x1e: {  	s7 =	smul.u32 @!p0 $0xF7A, s2;
	p2 =	seq.s32 @!p0 s5, $0x0  }
0x1f: {  	s9 =	smul.u32 $0xF7A, s1;
	s8 =	simm.s32 @!p0 $0x1BF5;
	p2 =	por !p2, p0  }
0x20: {  	[sflag:s8] =	ssyncset.s32 @!p0 $0xFFFFF086;
	s6 =	sadd.s32 @!p0 s3, s7;
	s7 =	simm.s32 @!p0 $0x108  }
0x21: {  	s3 =	sadd.s32 s3, s9;
	s6 =	sadd.s32 @!p0 $0x88, s6;
	s7 =	simm.s32 @p2 $0x1082  }
0x22: {  	[simem:s7], [sflag:s8] =	dma.local @!p0 [hbm:s6], $0xF7A  }
0x23: {  	s9 =	sor.u32 $0xD0000000, s2;
	s6 =	simm.s32 $0x108;
	_ =	swait.ge @!p0 [sflag:s8], $0x0  }
0x24: {  	s3 =	sadd.s32 $0x88, s3;
	s6 =	simm.s32 @!p1 $0x1082;
	[sflag:s4] =	ssyncset.s32 $0xFFFFF086  }
0x25: {  	[simem:s6], [sflag:s4] =	dma.local [hbm:s3], $0xF7A  }
0x26: {  	[smem:$0x3F9F] =	sst s1;
	(tag) =	ssettag s2;
	_ =	strace s9  }
0x27: {  	s1 =	sld [smem:$0x3FAF]  }
0x28: {  	s2 =	sld [smem:$0x3FB0]  }
0x29: {  	s4 =	sld [smem:$0x3FB2]  }
0x2a: {  	p0 =	seq.s32 s5, $0x0;
	s5 =	sld [smem:$0x3FB3]  }
0x2b: {  	s6 =	sld [smem:$0x3FB4]  }
0x2c: {  	s7 =	sld [smem:$0x3FB5]  }
0x2d: {  	s3 =	simm.s32 $0x108;
	s8 =	sld [smem:$0x3FB6]  }
0x2e: {  	s3 =	simm.s32 @!p0 $0x1082;
	s9 =	sld [smem:$0x3FB7]  }
0x2f: {  	lr =	sadd.s32 s0, s3;
	s0 =	sld [smem:$0x3FAE]  }
0x30: {  	s3 =	sld [smem:$0x3FB1]  }
0x31: {  	[smem:$0x3FBA] =	sst s10  }
0x32: {  	s10 =	sld [smem:$0x3FB8];
	_ =	sdelay $0x3  }
0x33: {  	p0 =	seq.s32 s10, $0x1;
	s10 =	sld [smem:$0x3FBA];
	_ =	sdelay $0x3  }
0x34: {  	[smem:$0x3FBA] =	sst s10  }
0x35: {  	s10 =	sld [smem:$0x3FB9];
	_ =	sdelay $0x3  }
0x36: {  	p1 =	seq.s32 s10, $0x1;
	s10 =	sld [smem:$0x3FBA];
	_ =	sdelay $0x3  }
0x37: {  	[smem:$0x3FBA] =	sst s10  }
0x38: {  	s10 =	sld [smem:$0x3FBB]  }
0x39: {  	_ = 	snop;
	(pc) =	sbr.ind lr, $3  }
0x3a: {  	_ = 	snop  }
0x3b: {  	_ = 	snop  }
0x3c: {  	p2 =	seq.s32 s10, $0x1;
	s10 =	sld [smem:$0x3FBA]  }
0x3d: {  	_ =	shalt  }
0x3e: {  	_ =	shalt  }
0x3f: {  	_ =	shalt  }
0x40: {  	_ =	shalt  }
0x41: {  	_ =	shalt  }
0x42: {  	_ =	shalt  }
0x43: {  	_ =	shalt  }
0x44: {  	_ =	shalt  }
0x45: {  	_ =	shalt  }
0x46: {  	_ =	shalt  }
0x47: {  	_ =	shalt  }
0x48: {  	_ =	shalt  }
0x49: {  	_ =	shalt  }
0x4a: {  	_ =	shalt  }
0x4b: {  	_ =	shalt  }
0x4c: {  	_ =	shalt  }
0x4d: {  	_ =	shalt  }
0x4e: {  	_ =	shalt  }
0x4f: {  	_ =	shalt  }
0x50: {  	_ =	shalt  }
0x51: {  	_ =	shalt  }
0x52: {  	_ =	shalt  }
0x53: {  	_ =	shalt  }
0x54: {  	_ =	shalt  }
0x55: {  	_ =	shalt  }
0x56: {  	_ =	shalt  }
0x57: {  	_ =	shalt  }
0x58: {  	_ =	shalt  }
0x59: {  	_ =	shalt  }
0x5a: {  	_ =	shalt  }
0x5b: {  	_ =	shalt  }
0x5c: {  	_ =	shalt  }
0x5d: {  	_ =	shalt  }
0x5e: {  	_ =	shalt  }
0x5f: {  	_ =	shalt  }
0x60: {  	_ =	shalt  }
0x61: {  	_ =	shalt  }
0x62: {  	_ =	shalt  }
0x63: {  	_ =	shalt  }
0x64: {  	_ =	shalt  }
0x65: {  	_ =	shalt  }
0x66: {  	_ =	shalt  }
0x67: {  	_ =	shalt  }
0x68: {  	_ =	shalt  }
0x69: {  	_ =	shalt  }
0x6a: {  	_ =	shalt  }
0x6b: {  	_ =	shalt  }
0x6c: {  	_ =	shalt  }
0x6d: {  	_ =	shalt  }
0x6e: {  	_ =	shalt  }
0x6f: {  	_ =	shalt  }
0x70: {  	_ =	shalt  }
0x71: {  	_ =	shalt  }
0x72: {  	_ =	shalt  }
0x73: {  	_ =	shalt  }
0x74: {  	_ =	shalt  }
0x75: {  	_ =	shalt  }
0x76: {  	_ =	shalt  }
0x77: {  	_ =	shalt  }
0x78: {  	_ =	shalt  }
0x79: {  	_ =	shalt  }
0x7a: {  	_ =	shalt  }
0x7b: {  	_ =	shalt  }
0x7c: {  	_ =	shalt  }
0x7d: {  	_ =	shalt  }
0x7e: {  	_ =	shalt  }
0x7f: {  	_ =	shalt  }
0x80: {  	_ =	shalt  }
0x81: {  	_ =	shalt  }
0x82: {  	_ =	shalt  }
0x83: {  	_ =	shalt  }
0x84: {  	_ =	shalt  }
0x85: {  	_ =	shalt  }
0x86: {  	_ =	shalt  }
0x87: {  	_ =	shalt  }
.Lfunc_end0:
.L_simem_size_0:
called_computation_lowered:
.L_overlay_start_0:
0x88: {  	s0 =	sld [smem:$0x3FD9]  }
0x89: {  	s1 =	sld [smem:$0x3FFE];
	_ =	sdelay $0x3  }
0x8a: {  	s0 =	sadd.s32 s1, s0  }
0x8b: {  	[smem:$0x3FC6] =	sst s0  }
0x8c: {  	_ = 	snop  }
0x8d: {  	s0 =	sld [smem:$0x3FC9]  }
0x8e: {  	s17 =	sld [smem:$0x3FC8]  }
0x8f: {  	s2 =	sld [smem:$0x3FD0];
	(tm) =	ssettm $0x1  }
0x90: {  	s3 =	sld [smem:$0x3FFB];
	_ =	sdelay $0x3  }
0x91: {  	_ =	strace s3  }
0x92: {  	s3 =	sld [smem:$0x3FFC];
	_ =	sdelay $0x3  }
0x93: {  	_ =	strace s3  }
0x94: {  	s3 =	sld [smem:$0x3FFD];
	_ =	sdelay $0x3  }
0x95: {  	_ =	strace s3  }
0x96: {  	_ =	strace $0x8FFFFFFF  }
0x97: {  	s18 =	sld [smem:$0x3FDB];
	_ =	sdelay $0x1  }
0x98: {  	s4 =	simm.s32 $_scs_section_size  }
0x99: {  	s5 =	simm.s32 $_size__tile_overlayer_lowered;
	s6 =	simm.s32 $_tile_overlayer_lowered  }
0x9a: {  	s21 =	simm.s32 $0x1BFF;
	s20 =	sshll.u32 s6, $0x1;
	s3 =	sadd.s32 s4, s18  }
0x9b: {  	s7 =	simm.s32 $0x0;
	s19 =	sshll.u32 s5, $0x1;
	s5 =	sadd.s32 s20, s3  }
0x9c: {  	[timem:s7], [sflag:s21] =	dma.local [hbm:s5], s19  }
0x9d: {  	_ =	swait.ge [sflag:s21], s19  }
0x9e: {  	s4 =	ssub.s32 $0x0, s19;
	[sflag:s21] =	ssyncset.done $0x0  }
0x9f: {  	[sflag:s21] =	ssyncadd.s32 s4;
	_ =	sdelay $0x1  }
0xa0: {  	s22 =	simm.s32 $0x1B8B  }
0xa1: {  	_ =	swait.ge [sflag:s22], $0x1  }
0xa2: {  	[sflag:s22] =	ssyncset.done $0x0  }
0xa3: {  	s23 =	simm.s32 $0x1B8E;
	[sflag:s22] =	ssyncadd.s32 $0xFFFFFFFF  }
0xa4: {  	s24 =	simm.s32 $execute0_lowered;
	[smem:$0x3FD2] =	sst s23  }
0xa5: {  	s4 =	sshll.u32 s24, $0x1;
	_ =	strace $0x80000046;
	[dreg:$0x1] =	wrdreg $0xFFFFFFFF  }
0xa6: {  	s25 =	simm.s32 $_size_execute0_lowered;
	s3 =	sadd.s32 s3, s4;
	[dreg:$0x0] =	wrdreg $0x0  }
0xa7: {  	s4 =	sshll.u32 s25, $0x1;
	[dreg:$0x2] =	wrdreg s3  }
0xa8: {  	[dreg:$0x3] =	wrdreg s4  }
0xa9: {  	[dreg:$0x4] =	wrdreg $0xC0  }
0xaa: {  	_ =	task [dreg:s7], $0x5FFFF  }
0xab: {  	[dreg:$0x1] =	wrdreg $0xFFFFFFFF  }
0xac: {  	[dreg:$0x0] =	wrdreg $0x60  }
0xad: {  	[dreg:$0x2] =	wrdreg s0  }
0xae: {  	[dreg:$0x3] =	wrdreg s17  }
0xaf: {  	[dreg:$0x4] =	wrdreg s2  }
0xb0: {  	[dreg:$0x5] =	wrdreg $0xD400  }
0xb1: {  	[dreg:$0x6] =	wrdreg $0xD000  }
0xb2: {  	[dreg:$0x7] =	wrdreg $0x9  }
0xb3: {  	_ =	task.clear_ibuf [dreg:s7], $0x8FFFF;
	_ =	strace $0x90000046  }
0xb4: {  	s26 =	simm.s32 $0x9;
	_ =	strace $0x80000048  }
0xb5: {  	_ =	swait.ge [sflag:s26], $0x1  }
0xb6: {  	[sflag:s26] =	ssyncadd.s32 $0xFFFFFFFF  }
0xb7: {  	_ =	strace $0x90000048  }
0xb8: {  	_ =	sfence  }
0xb9: {  	s28 =	sld [smem:$0x0];
	_ =	sdelay $0x1  }
0xba: {  	s29 =	srdreg.scid  }
0xbb: {  	s30 =	sshll.u32 s29, $0xD;
	s31 =	sshrl.u32 s29, $0x2  }
0xbc: {  	s1 =	sand.u32 $0x1, s29;
	s2 =	sand.u32 $0x4000, s30;
	s0 =	sadd.s32 s31, s28  }
0xbd: {  	s1 =	sor.u32 s2, s1;
	s0 =	sshll.u32 s0, $0x11  }
0xbe: {  	s0 =	sor.u32 s0, s1  }
0xbf: {  	s0 =	sadd.s32 $0x8F2B, s0  }
0xc0: {  	[sflag:s0] =	ssyncadd.remote.s32 $0x1  }
0xc1: {  	_ =	sfence.sel $0xFFFF  }
0xc2: {  	[dreg:$0x0] =	wrdreg $0xFFFFFFFF;
	(pc) =	sbr.abs _section_cstart, $3  }
0xc3: {  	[dreg:$0x1] =	wrdreg $0xFFFFFFFF  }
0xc4: {  	_ =	task.clear_ibuf [dreg:s7], $0x2FFFF;
	_ =	strace $0x9FFFFFFF  }
0xc5: {  	(tm) =	ssettm $0x7FFFFFFF  }
tec
execute0_lowered:
.L_overlay_start_1:
0x0: {  	(tag) =	ssettag $0x1  }
0x1: {  	s7 =	rddreg [dreg:$0x0]  }
0x2: {  	s3 =	rddreg [dreg:$0x1]  }
0x3: {  	s1 =	rddreg [dreg:$0x2]  }
0x4: {  	s5 =	rddreg [dreg:$0x3]  }
0x5: {  	s2 =	rddreg [dreg:$0x4];
	s8 =	simm.s32 $0x0  }
0x6: {  	[smem:$0x7FF] =	sst s8  }
0x7: {  	s0 =	rddreg [dreg:$0x5];
	v0 =	vimm.f32 $7.000000000e+00;
	_ =	strace $0x80000047  }
0x8: {  	(erf) = vrcp.f32 v0;
	_ =	sdelay $0x1  }
0x9: {  	s6 =	stileid.u32  }
0xa: {  	s4 =	sshll.u32 s6, $0x7  }
0xb: {  	s4 =	sand.u32 $0x380, s4  }
0xc: {  	s9 =	sor.u32 s6, s4  }
0xd: {  	s9 =	sshrl.u32 s9, $0x3  }
0xe: {  	s3 =	sadd.s32 s3, s9  }
0xf: {  	[tilespmem:s8], [sflag:$0x2] =	stream.linear.gather [hbm4b:s3+s8], $0x8, $0x38;
	[tilespmem:$0xD80] =	vst v63  }
0x10: {  	s3 =	simm.s32 $0x2;
	v0 =	vpop (erf)  }
0x11: {  	_ =	swait.ge [sflag:s3], $0x8  }
0x12: {  	[sflag:s3] =	ssyncset.done $0x0  }
0x13: {  	[sflag:s3] =	ssyncadd.s32 $0xFFFFFFF8  }
0x14: {  	v1 =	vld.msk [tilespmem:$0x0], $0xff;
	_ =	sdelay $0x4  }
0x15: {  	v2 =	vshll.u32 v1, $0x1  }
0x16: {  	v3 =	vlaneseq.u32;
	v1 =	vand.u32 $0x7, v1;
	v2 =	vand.u32 $0xFFFFFFF0, v2  }
0x17: {  	v1 =	vor.u32 v1, v2;
	v2 =	vand.u32 $0x7, v3;
	v3 =	vshrl.u32 v3, $0x3  }
0x18: {  	v1 =	vperm.xlane v1, v2;
	v2 =	vmul.u32 $0x8, v3;
	_ =	sdelay $0x1  }
0x19: {  	v1 =	vadd.s32 v2, v1;
	_ =	sdelay $0x3  }
0x1a: {  	vm0 =	vmmov $0xffff;
	s30 =	simm.s32 $0x80;
	s31 =	simm.s32 $0x1  }
0x1b: {  	[tilespmem:s30], [sflag:$0x1] =	stream.indirect_vreg.gather [hbm4b:s7+s8], $0x80, v1, vm0, $0xb8;
	[tilespmem:$0xD80] =	vst v63  }
0x1c: {  	_ =	swait.ge [sflag:s31], $0x800  }
0x1d: {  	[sflag:s31] =	ssyncset.done $0x0  }
0x1e: {  	[sflag:s31] =	ssyncadd.s32 $0xFFFFF800  }
0x1f: {  	v2 =	vld [tilespmem:$0x80]  }
0x20: {  	v6 =	vld [tilespmem:$0x90]  }
0x21: {  	v7 =	vld [tilespmem:$0xA0]  }
0x22: {  	v9 =	vld [tilespmem:$0xB0]  }
0x23: {  	v10 =	vld [tilespmem:$0xC0]  }
0x24: {  	v13 =	vld [tilespmem:$0xD0]  }
0x25: {  	v15 =	vld [tilespmem:$0xE0]  }
0x26: {  	v16 =	vld [tilespmem:$0xF0]  }
0x27: {  	v18 =	vld [tilespmem:$0x480]  }
0x28: {  	v19 =	vld [tilespmem:$0x490]  }
0x29: {  	v20 =	vld [tilespmem:$0x4A0]  }
0x2a: {  	v21 =	vld [tilespmem:$0x4B0]  }
0x2b: {  	v22 =	vld [tilespmem:$0x4C0]  }
0x2c: {  	v23 =	vld [tilespmem:$0x4D0]  }
0x2d: {  	v1 =	vld [tilespmem:$0x4E0]  }
0x2e: {  	v4 =	vld [tilespmem:$0x4F0]  }
0x2f: {  	v24 =	vld [tilespmem:$0x100]  }
0x30: {  	v25 =	vld [tilespmem:$0x110]  }
0x31: {  	v26 =	vld [tilespmem:$0x120]  }
0x32: {  	v27 =	vld [tilespmem:$0x130]  }
0x33: {  	v28 =	vld [tilespmem:$0x140]  }
0x34: {  	v29 =	vld [tilespmem:$0x150]  }
0x35: {  	v30 =	vld [tilespmem:$0x160]  }
0x36: {  	v31 =	vld [tilespmem:$0x170]  }
0x37: {  	v32 =	vld [tilespmem:$0x500]  }
0x38: {  	v33 =	vld [tilespmem:$0x510]  }
0x39: {  	v34 =	vld [tilespmem:$0x520]  }
0x3a: {  	v35 =	vld [tilespmem:$0x530]  }
0x3b: {  	v36 =	vld [tilespmem:$0x540]  }
0x3c: {  	v37 =	vld [tilespmem:$0x550]  }
0x3d: {  	v3 =	vld [tilespmem:$0x560]  }
0x3e: {  	v5 =	vld [tilespmem:$0x570]  }
0x3f: {  	v38 =	vld [tilespmem:$0x180]  }
0x40: {  	v39 =	vld [tilespmem:$0x190]  }
0x41: {  	v40 =	vld [tilespmem:$0x1A0]  }
0x42: {  	v41 =	vld [tilespmem:$0x1B0]  }
0x43: {  	v42 =	vld [tilespmem:$0x1C0]  }
0x44: {  	v43 =	vld [tilespmem:$0x1D0]  }
0x45: {  	v44 =	vld [tilespmem:$0x1E0]  }
0x46: {  	v45 =	vld [tilespmem:$0x1F0]  }
0x47: {  	v46 =	vld [tilespmem:$0x580]  }
0x48: {  	v17 =	vld [tilespmem:$0x590]  }
0x49: {  	v14 =	vld [tilespmem:$0x5A0]  }
0x4a: {  	v11 =	vld [tilespmem:$0x5B0]  }
0x4b: {  	v12 =	vld [tilespmem:$0x5C0]  }
0x4c: {  	v8 =	vld [tilespmem:$0x5D0]  }
0x4d: {  	v48 =	vld [tilespmem:$0x250];
	v2 =	vmul.f32 v2, v2  }
0x4e: {  	v47 =	vmul.f32 v6, v6;
	v24 =	vmul.f32 v24, v24;
	v6 =	vld [tilespmem:$0x5E0]  }
0x4f: {  	v25 =	vmul.f32 v25, v25;
	v50 =	vmul.f32 v26, v26;
	v26 =	vld [tilespmem:$0x200]  }
0x50: {  	v7 =	vmul.f32 v7, v7;
	v51 =	vmul.f32 v27, v27;
	v27 =	vld [tilespmem:$0x220]  }
0x51: {  	v9 =	vmul.f32 v9, v9;
	v52 =	vmul.f32 v10, v10;
	v10 =	vld [tilespmem:$0x230]  }
0x52: {  	v53 =	vmul.f32 v28, v28;
	v28 =	vld [tilespmem:$0x240];
	v54 =	vmul.f32 v13, v13  }
0x53: {  	v56 =	vmul.f32 v29, v29;
	v57 =	vmul.f32 v15, v15;
	v29 =	vld [tilespmem:$0x270]  }
0x54: {  	v58 =	vmul.f32 v30, v30;
	v59 =	vmul.f32 v16, v16;
	v30 =	vld [tilespmem:$0x610]  }
0x55: {  	v60 =	vmul.f32 v31, v31;
	v31 =	vld [tilespmem:$0x620];
	v61 =	vmul.f32 v18, v18  }
0x56: {  	v18 =	vld [tilespmem:$0x630];
	v62 =	vmul.f32 v32, v32;
	v63 =	vmul.f32 v19, v19  }
0x57: {  	v32 =	vld [tilespmem:$0x640];
	v33 =	vmul.f32 v33, v33;
	v49 =	vmul.f32 v20, v20  }
0x58: {  	v19 =	vld [tilespmem:$0x650];
	v22 =	vmul.f32 v22, v22;
	v36 =	vmul.f32 v36, v36;
	v24 =	vadd.f32 v25, v24  }
0x59: {  	v16 =	vld [tilespmem:$0x660];
	v23 =	vmul.f32 v23, v23;
	v37 =	vmul.f32 v37, v37;
	v47 =	vadd.f32 v47, v2  }
0x5a: {  	v1 =	vmul.f32 v1, v1;
	v4 =	vmul.f32 v4, v4;
	v2 =	vld [tilespmem:$0x5F0];
	v24 =	vadd.f32 v50, v24  }
0x5b: {  	v17 =	vmul.f32 v17, v17;
	v5 =	vmul.f32 v5, v5;
	v25 =	vld [tilespmem:$0x260];
	v7 =	vadd.f32 v7, v47  }
0x5c: {  	v14 =	vmul.f32 v14, v14;
	v11 =	vmul.f32 v11, v11;
	v47 =	vld [tilespmem:$0x210];
	v24 =	vadd.f32 v51, v24  }
0x5d: {  	v12 =	vmul.f32 v12, v12;
	v7 =	vadd.f32 v9, v7;
	v51 =	vmul.f32 v34, v34;
	v34 =	vld [tilespmem:$0x280]  }
0x5e: {  	v8 =	vmul.f32 v8, v8;
	v50 =	vmul.f32 v21, v21;
	v55 =	vadd.f32 v53, v24;
	v24 =	vld [tilespmem:$0x600]  }
0x5f: {  	v10 =	vmul.f32 v10, v10;
	v7 =	vadd.f32 v52, v7;
	v53 =	vmul.f32 v38, v38;
	v38 =	vld [tilespmem:$0x290]  }
0x60: {  	v29 =	vmul.f32 v29, v29;
	v52 =	vmul.f32 v35, v35;
	v35 =	vld [tilespmem:$0x2B0]  }
0x61: {  	v7 =	vadd.f32 v54, v7;
	v13 =	vadd.f32 v56, v55;
	v54 =	vmul.f32 v39, v39;
	v39 =	vld [tilespmem:$0x2A0]  }
0x62: {  	v18 =	vmul.f32 v18, v18;
	v55 =	vmul.f32 v26, v26;
	v26 =	vld [tilespmem:$0x2E0]  }
0x63: {  	v56 =	vmul.f32 v47, v47;
	v13 =	vadd.f32 v58, v13;
	v58 =	vmul.f32 v27, v27;
	v27 =	vld [tilespmem:$0x2C0]  }
0x64: {  	v19 =	vmul.f32 v19, v19;
	v16 =	vmul.f32 v16, v16;
	v9 =	vadd.f32 v54, v53;
	v54 =	vld [tilespmem:$0x300]  }
0x65: {  	v25 =	vmul.f32 v25, v25;
	v2 =	vmul.f32 v2, v2;
	v21 =	vadd.f32 v56, v55;
	v55 =	vld [tilespmem:$0x310]  }
0x66: {  	v47 =	vmul.f32 v48, v48;
	v7 =	vadd.f32 v57, v7;
	v57 =	vmul.f32 v40, v40;
	v40 =	vld [tilespmem:$0x360]  }
0x67: {  	v53 =	vmul.f32 v46, v46;
	v56 =	vmul.f32 v30, v30;
	v46 =	vld [tilespmem:$0x700]  }
0x68: {  	v30 =	vld [tilespmem:$0x730];
	v24 =	vmul.f32 v24, v24;
	v7 =	vadd.f32 v59, v7;
	v13 =	vadd.f32 v60, v13  }
0x69: {  	v9 =	vadd.f32 v57, v9;
	v59 =	vmul.f32 v41, v41;
	v21 =	vadd.f32 v58, v21;
	v57 =	vld [tilespmem:$0x320]  }
0x6a: {  	v60 =	vmul.f32 v42, v42;
	v58 =	vld [tilespmem:$0x330];
	v41 =	vmul.f32 v34, v34;
	v7 =	vadd.f32 v61, v7  }
0x6b: {  	v42 =	vmul.f32 v38, v38;
	v34 =	vld [tilespmem:$0x3A0];
	v15 =	vadd.f32 v62, v13;
	v9 =	vadd.f32 v59, v9  }
0x6c: {  	v13 =	vld [tilespmem:$0x670];
	v10 =	vadd.f32 v10, v21;
	v61 =	vmul.f32 v28, v28;
	v7 =	vadd.f32 v63, v7  }
0x6d: {  	v38 =	vld [tilespmem:$0x420];
	v62 =	vmul.f32 v43, v43;
	v15 =	vadd.f32 v33, v15;
	v9 =	vadd.f32 v60, v9  }
0x6e: {  	v21 =	vld [tilespmem:$0x680];
	v63 =	vadd.f32 v61, v10;
	v60 =	vmul.f32 v31, v31;
	v7 =	vadd.f32 v49, v7  }
0x6f: {  	v61 =	vld [tilespmem:$0x340];
	v15 =	vadd.f32 v51, v15;
	v49 =	vmul.f32 v44, v44;
	v51 =	vmul.f32 v45, v45  }
0x70: {  	v28 =	vld [tilespmem:$0x690];
	v48 =	vadd.f32 v62, v9;
	v44 =	vmul.f32 v54, v54;
	v45 =	vmul.f32 v55, v55  }
0x71: {  	v10 =	vld [tilespmem:$0x6B0];
	v13 =	vmul.f32 v13, v13;
	v7 =	vadd.f32 v50, v7;
	v15 =	vadd.f32 v52, v15  }
0x72: {  	v43 =	vld [tilespmem:$0x370];
	v50 =	vadd.f32 v47, v63;
	v20 =	vadd.f32 v49, v48;
	v52 =	vmul.f32 v3, v3  }
0x73: {  	v33 =	vld [tilespmem:$0x2D0];
	v63 =	vmul.f32 v32, v32;
	v47 =	vadd.f32 v42, v41;
	v48 =	vmul.f32 v39, v39  }
0x74: {  	v31 =	vld [tilespmem:$0x410];
	v55 =	vmul.f32 v61, v61;
	v61 =	vmul.f32 v40, v40;
	v20 =	vadd.f32 v51, v20  }
0x75: {  	v9 =	vld [tilespmem:$0x6C0];
	v40 =	vmul.f32 v46, v46;
	v46 =	vmul.f32 v28, v28;
	v25 =	vadd.f32 v25, v50  }
0x76: {  	v62 =	vld [tilespmem:$0x350];
	v10 =	vmul.f32 v10, v10;
	v7 =	vadd.f32 v22, v7;
	v20 =	vadd.f32 v53, v20  }
0x77: {  	v3 =	vld [tilespmem:$0x6E0];
	v36 =	vadd.f32 v36, v15;
	v50 =	vmul.f32 v57, v57;
	v25 =	vadd.f32 v29, v25  }
0x78: {  	v49 =	vld [tilespmem:$0x710];
	v51 =	vmul.f32 v35, v35;
	v57 =	vmul.f32 v33, v33;
	v17 =	vadd.f32 v17, v20  }
0x79: {  	v41 =	vld [tilespmem:$0x3B0];
	v33 =	vmul.f32 v43, v43;
	v23 =	vadd.f32 v23, v7;
	v24 =	vadd.f32 v24, v25  }
0x7a: {  	v32 =	vld [tilespmem:$0x7B0];
	v9 =	vmul.f32 v9, v9;
	v36 =	vadd.f32 v37, v36;
	v14 =	vadd.f32 v14, v17  }
0x7b: {  	v15 =	vld [tilespmem:$0x6A0];
	v53 =	vmul.f32 v27, v27;
	v23 =	vadd.f32 v1, v23;
	v59 =	vadd.f32 v56, v24  }
0x7c: {  	v28 =	vld [tilespmem:$0x7A0];
	v37 =	vmul.f32 v21, v21;
	v36 =	vadd.f32 v52, v36;
	v11 =	vadd.f32 v11, v14  }
0x7d: {  	v7 =	vld [tilespmem:$0x6D0];
	v49 =	vmul.f32 v49, v49;
	v4 =	vadd.f32 v4, v23;
	v23 =	vadd.f32 v60, v59  }
0x7e: {  	v3 =	vmul.f32 v3, v3;
	v1 =	vld [tilespmem:$0x6F0];
	v11 =	vadd.f32 v12, v11;
	v12 =	vadd.f32 v48, v47  }
0x7f: {  	v20 =	vmul.f32 v58, v58;
	v58 =	vld [tilespmem:$0x380];
	v18 =	vadd.f32 v18, v23;
	v23 =	vadd.f32 v45, v44  }
0x80: {  	v22 =	vld [tilespmem:$0x2F0];
	v15 =	vmul.f32 v15, v15;
	v5 =	vadd.f32 v5, v36;
	v52 =	vadd.f32 v51, v12  }
0x81: {  	v56 =	vmul.f32 v6, v6;
	v17 =	vmul.f32 v62, v62;
	v60 =	vld [tilespmem:$0x390];
	v23 =	vadd.f32 v50, v23  }
0x82: {  	v62 =	vld [tilespmem:$0x400];
	v7 =	vmul.f32 v7, v7;
	v8 =	vadd.f32 v8, v11;
	v11 =	vadd.f32 v53, v52  }
0x83: {  	v6 =	vld [tilespmem:$0x770];
	v59 =	vmul.f32 v26, v26;
	v18 =	vadd.f32 v63, v18;
	v54 =	vadd.f32 v20, v23  }
0x84: {  	v29 =	vld [tilespmem:$0x720];
	v42 =	vmul.f32 v58, v58;
	v1 =	vmul.f32 v1, v1;
	v11 =	vadd.f32 v57, v11  }
0x85: {  	v58 =	vld [tilespmem:$0x780];
	v47 =	vmul.f32 v34, v34;
	v18 =	vadd.f32 v19, v18;
	v19 =	vadd.f32 v55, v54  }
0x86: {  	v44 =	vld [tilespmem:$0x430];
	v63 =	vmul.f32 v22, v22;
	v43 =	vmul.f32 v60, v60;
	v11 =	vadd.f32 v59, v11  }
0x87: {  	v45 =	vld [tilespmem:$0x3C0];
	v22 =	vmul.f32 v31, v31;
	v17 =	vadd.f32 v17, v19;
	v19 =	vmul.f32 v62, v62  }
0x88: {  	v48 =	vld [tilespmem:$0x440];
	v6 =	vmul.f32 v6, v6;
	v35 =	vadd.f32 v63, v11;
	v11 =	vadd.f32 v43, v42  }
0x89: {  	v50 =	vld [tilespmem:$0x3D0];
	v12 =	vmul.f32 v38, v38;
	v16 =	vadd.f32 v16, v18;
	v19 =	vadd.f32 v22, v19  }
0x8a: {  	v51 =	vld [tilespmem:$0x450];
	v18 =	vmul.f32 v41, v41;
	v17 =	vadd.f32 v61, v17;
	v11 =	vadd.f32 v47, v11  }
0x8b: {  	v8 =	vadd.f32 v56, v8;
	v52 =	vld [tilespmem:$0x3E0];
	v21 =	vmul.f32 v44, v44;
	v12 =	vadd.f32 v12, v19  }
0x8c: {  	v53 =	vld [tilespmem:$0x460];
	v39 =	vadd.f32 v33, v17;
	v17 =	vmul.f32 v45, v45;
	v11 =	vadd.f32 v18, v11  }
0x8d: {  	v26 =	vmul.f32 v48, v48;
	v2 =	vadd.f32 v2, v8;
	v55 =	vld [tilespmem:$0x3F0];
	v12 =	vadd.f32 v21, v12  }
0x8e: {  	v57 =	vld [tilespmem:$0x470];
	v56 =	vmul.f32 v50, v50;
	v8 =	vadd.f32 v37, v35;
	v11 =	vadd.f32 v17, v11  }
0x8f: {  	v24 =	vld [tilespmem:$0x740];
	v54 =	vmul.f32 v29, v29;
	v20 =	vmul.f32 v51, v51;
	v12 =	vadd.f32 v26, v12  }
0x90: {  	v60 =	vld [tilespmem:$0x800];
	v59 =	vmul.f32 v52, v52;
	v8 =	vadd.f32 v46, v8;
	v11 =	vadd.f32 v56, v11  }
0x91: {  	v29 =	vmul.f32 v58, v58;
	v62 =	vld [tilespmem:$0x790];
	v18 =	vmul.f32 v53, v53;
	v12 =	vadd.f32 v20, v12  }
0x92: {  	v27 =	vld [tilespmem:$0x810];
	v8 =	vadd.f32 v15, v8;
	v26 =	vmul.f32 v55, v55;
	v63 =	vadd.f32 v59, v11  }
0x93: {  	v36 =	vld [tilespmem:$0x7C0];
	v13 =	vadd.f32 v13, v16;
	v17 =	vmul.f32 v57, v57;
	v12 =	vadd.f32 v18, v12  }
0x94: {  	v61 =	vmul.f32 v30, v30;
	v30 =	vld [tilespmem:$0x820];
	v8 =	vadd.f32 v10, v8;
	v10 =	vadd.f32 v26, v63  }
0x95: {  	v14 =	vld [tilespmem:$0x750];
	v19 =	vmul.f32 v60, v60;
	v16 =	vadd.f32 v40, v39;
	v12 =	vadd.f32 v17, v12  }
0x96: {  	v31 =	vmul.f32 v24, v24;
	v35 =	vld [tilespmem:$0x830];
	v34 =	vmul.f32 v62, v62;
	v33 =	vadd.f32 v29, v10  }
0x97: {  	v38 =	vld [tilespmem:$0x840];
	v16 =	vadd.f32 v49, v16;
	v15 =	vmul.f32 v27, v27;
	v12 =	vadd.f32 v19, v12  }
0x98: {  	v23 =	vld [tilespmem:$0x760];
	v37 =	vmul.f32 v28, v28;
	v8 =	vadd.f32 v9, v8;
	v9 =	vadd.f32 v34, v33  }
0x99: {  	v39 =	vld [tilespmem:$0x7D0];
	v40 =	vmul.f32 v30, v30;
	v16 =	vadd.f32 v54, v16;
	v12 =	vadd.f32 v15, v12  }
0x9a: {  	v14 =	vmul.f32 v14, v14;
	v42 =	vmul.f32 v32, v32;
	v43 =	vld [tilespmem:$0x850];
	v41 =	vadd.f32 v37, v9  }
0x9b: {  	v44 =	vld [tilespmem:$0x7E0];
	v16 =	vadd.f32 v61, v16;
	v11 =	vmul.f32 v35, v35;
	v12 =	vadd.f32 v40, v12  }
0x9c: {  	v45 =	vmul.f32 v36, v36;
	v46 =	vld [tilespmem:$0x860];
	v7 =	vadd.f32 v7, v8;
	v8 =	vadd.f32 v42, v41  }
0x9d: {  	v48 =	vld [tilespmem:$0x7F0];
	v18 =	vmul.f32 v38, v38;
	v16 =	vadd.f32 v31, v16;
	v11 =	vadd.f32 v11, v12  }
0x9e: {  	v51 =	vld [tilespmem:$0x870];
	v47 =	vmul.f32 v23, v23;
	v50 =	vmul.f32 v39, v39;
	v49 =	vadd.f32 v45, v8  }
0x9f: {  	v14 =	vadd.f32 v14, v16;
	v10 =	vmul.f32 v43, v43;
	v11 =	vadd.f32 v18, v11  }
0xa0: {  	(xrf2) =	vadd.scan.msk.f32 $0xffff, v4;
	v53 =	vmul.f32 v44, v44;
	v3 =	vadd.f32 v3, v7;
	v52 =	vadd.f32 v50, v49  }
0xa1: {  	(xrf2) =	vadd.scan.msk.f32 $0xffff, v5;
	v55 =	vmul.f32 v46, v46;
	v14 =	vadd.f32 v47, v14;
	v54 =	vadd.f32 v10, v11  }
0xa2: {  	(xrf2) =	vadd.scan.msk.f32 $0xffff, v2;
	v1 =	vadd.f32 v1, v3;
	v3 =	vmul.f32 v48, v48;
	v2 =	vadd.f32 v53, v52  }
0xa3: {  	(xrf2) =	vadd.scan.msk.f32 $0xffff, v13;
	v57 =	vmul.f32 v51, v51;
	v56 =	vadd.f32 v6, v14;
	v5 =	vadd.f32 v55, v54  }
0xa4: {  	(xrf2) =	vadd.scan.msk.f32 $0xffff, v1;
	v1 =	vadd.f32 v3, v2  }
0xa5: {  	(xrf2) =	vadd.scan.msk.f32 $0xffff, v56;
	v2 =	vadd.f32 v57, v5  }
0xa6: {  	(xrf2) =	vadd.scan.msk.f32 $0xffff, v1  }
0xa7: {  	(xrf2) =	vadd.scan.msk.f32 $0xffff, v2;
	_ =	sdelay $0x2  }
0xa8: {  	v1, _, _ =	vpop (xrf2)  }
0xa9: {  	v2, _, _ =	vpop (xrf2);
	v1 =	vbroadcast v1, $0xF  }
0xaa: {  	vm8 =	vmmov $0x1;
	v3, _, _ =	vpop (xrf2);
	v2 =	vbroadcast v2, $0xF  }
0xab: {  	vm9 =	vcmask $0x320;
	v58, _, _ =	vpop (xrf2);
	v1 =	vnsel vm8, $0x0, v1;
	v3 =	vbroadcast v3, $0xF  }
0xac: {  	vm10 =	vcmask $0x720;
	v59, _, _ =	vpop (xrf2);
	v1 =	vsel vm9, v1, v2;
	v2 =	vbroadcast v58, $0xF  }
0xad: {  	vm11 =	vcmask $0xB20;
	v60, _, _ =	vpop (xrf2);
	v1 =	vsel vm10, v1, v3;
	v3 =	vbroadcast v59, $0xF  }
0xae: {  	vm12 =	vcmask $0xF20;
	v1 =	vsel vm11, v1, v2;
	v2 =	vbroadcast v60, $0xF;
	v61, _, _ =	vpop (xrf2)  }
0xaf: {  	vm13 =	vcmask $0x1320;
	v1 =	vsel vm12, v1, v3;
	v3 =	vbroadcast v61, $0xF;
	v62, _, _ =	vpop (xrf2)  }
0xb0: {  	vm14 =	vcmask $0x1720;
	v1 =	vsel vm13, v1, v2;
	v2 =	vbroadcast v62, $0xF  }
0xb1: {  	vm15 =	vcmask $0x1B20;
	v1 =	vsel vm14, v1, v3  }
0xb2: {  	v1 =	vsel vm15, v1, v2  }
0xb3: {  	v2 =	vshra.s32 v1, $0x1;
	v3 =	vmul.f32 $5.000000000e-01, v1  }
0xb4: {  	v2 =	vsub.s32 $0x5F3759DF, v2  }
0xb5: {  	v63 =	vmul.f32 v2, v3;
	_ =	sdelay $0x1  }
0xb6: {  	v4 =	vmul.f32 v2, v63;
	_ =	sdelay $0x1  }
0xb7: {  	v4 =	vsub.f32 $1.500000000e+00, v4;
	_ =	sdelay $0x1  }
0xb8: {  	v2 =	vmul.f32 v2, v4;
	_ =	sdelay $0x1  }
0xb9: {  	v4 =	vmul.f32 v2, v3;
	_ =	sdelay $0x1  }
0xba: {  	v4 =	vmul.f32 v4, v2;
	_ =	sdelay $0x1  }
0xbb: {  	v4 =	vsub.f32 $1.500000000e+00, v4;
	_ =	sdelay $0x1  }
0xbc: {  	v2 =	vmul.f32 v4, v2;
	_ =	sdelay $0x1  }
0xbd: {  	v4 =	vmul.f32 v2, v3;
	_ =	sdelay $0x1  }
0xbe: {  	v4 =	vmul.f32 v4, v2;
	_ =	sdelay $0x1  }
0xbf: {  	v4 =	vsub.f32 $1.500000000e+00, v4;
	_ =	sdelay $0x1  }
0xc0: {  	v2 =	vmul.f32 v4, v2;
	_ =	sdelay $0x1  }
0xc1: {  	v3 =	vmul.f32 v2, v3;
	_ =	sdelay $0x1  }
0xc2: {  	v3 =	vmul.f32 v3, v2;
	_ =	sdelay $0x1  }
0xc3: {  	v3 =	vsub.f32 $1.500000000e+00, v3;
	_ =	sdelay $0x1  }
0xc4: {  	p1 =	slt.u32 s6, $0x8;
	v2 =	vmul.f32 v3, v2  }
.Ltmp0:
0xc5: {  	_ = 	snop;
	(pc) =	sbr.rel @!p1 .LBB2_1-.Ltmp0, $3  }
0xc6: {  	v1 =	vmul.f32 v2, v1;
	_ =	sdelay $0x1  }
0xc7: {  	v1 =	vmin.f32 v1, $9.999899860e-01  }
0xc8: {  	p0 =	sne.s32 s6, $0x0;
	[tilespmem:$0x880] =	vst v1  }
0xc9: {  	s5 =	sadd.s32 s4, s5;
	[bflag:$0x0] =	sbarrier.arrive $0xFFFF;
	s6 =	simm.s32 $0x888  }
0xca: {  	[tilespmem:s6], [sflag:$0x2] =	stream.linear.gather [spmem:s5], $0x8, $0x38;
	[tilespmem:$0xD80] =	vst v63  }
0xcb: {  	_ =	swait.ge [sflag:s3], $0x8  }
0xcc: {  	[sflag:s3] =	ssyncset.done $0x0  }
0xcd: {  	[sflag:s3] =	ssyncadd.s32 $0xFFFFFFF8  }
0xce: {  	v1 =	vld [tilespmem:$0x880];
	_ =	sdelay $0x4  }
0xcf: {  	(xrf1) =	vsort.ascd.msk.f32 $0xffff, v1, v1;
	_ =	sdelay $0xd  }
0xd0: {  	vm0 =	vcmask $0x333C;
	v1, _, _ =	vpop (xrf1)  }
0xd1: {  	v2 =	vsel vm0, $0x0, v1;
	vm0 =	vcmask $0x30C  }
0xd2: {  	(xrf2) =	vadd.scan.msk.f32 $0xffff, v2;
	v1 =	vsel vm0, $0x0, v1  }
0xd3: {  	(xrf2) =	vadd.scan.msk.f32 $0xffff, v1;
	_ =	sdelay $0x8  }
0xd4: {  	v1, _, _ =	vpop (xrf2)  }
0xd5: {  	v2, _, _ =	vpop (xrf2)  }
0xd6: {  	v2 =	vmul.f32 $5.000000000e-01, v2  }
0xd7: {  	v1 =	vmul.f32 $5.000000000e-01, v1  }
0xd8: {  	v2 =	vbroadcast v2, $0xF  }
0xd9: {  	vm0 =	vcmask $0x704;
	v1 =	vbroadcast v1, $0xF  }
0xda: {  	vm1 =	vcmask $0x3F04;
	v2 =	vnsel vm0, $0x0, v2  }
0xdb: {  	v1 =	vsel vm1, v2, v1  }
0xdc: {  	s31 =	sadd.s32 s4, s2;
	s4 =	simm.s32 $0x880;
	[tilespmem:$0x880] =	vst v1  }
0xdd: {  	[spmem:s31] =	stream.linear.scatter [tilespmem:s4], [sflag:$0x2], $0x10, $0x38;
	[tilespmem:$0xD80] =	vst v63  }
0xde: {  	_ =	swait.ge [sflag:s3], $0x10  }
0xdf: {  	[sflag:s3] =	ssyncset.done $0x0  }
0xe0: {  	[sflag:s3] =	ssyncadd.s32 $0xFFFFFFF0  }
0xe1: {  	[bflag:$0x0] =	sbarrier.arrive $0xFFFF  }
0xe2: {  	_ =	sfence.sel @p0 $0x180000  }
0xe3: {  	[bflag:$0x0] =	sbarrier.arrive @p0 $0xFFFF  }
0xe4: {  	_ =	strace @p0 $0x90000047  }
0xe5: {  	[bflag:$0x2] =	sbarrier.arrive @p0 $0xFFFF  }
0xe6: {  	_ =	shalt @p0  }
.LBB2_3:
0xe7: {  	v1 =	vimm.s32 $0x381;
	vm1 =	vcmask $0x300  }
0xe8: {  	v2 =	vlaneseq.u32;
	v1 =	vsel vm1, $0x81, v1  }
0xe9: {  	vm11 =	vcmask $0xB08;
	v2 =	vand.u32 $0x7, v2;
	v1 =	vsel vm0, $0x101, v1  }
0xea: {  	vm12 =	vcmask $0xF0C;
	v2 =	vmul.u32 $0x80, v2;
	v1 =	vsel vm11, $0x181, v1  }
0xeb: {  	s3 =	simm.s32 $0x900;
	vm13 =	vcmask $0x1310;
	s30 =	simm.s32 $0x2;
	v1 =	vsel vm12, $0x201, v1  }
0xec: {  	vm14 =	vcmask $0x1714;
	[tilespmem:s3], [sflag:$0x2] =	stream.linear.gather [spmem:s2], $0x400, $0x38;
	v1 =	vsel vm13, $0x281, v1;
	[tilespmem:$0xD80] =	vst v63  }
0xed: {  	_ =	swait.ge [sflag:s30], $0x400;
	v1 =	vsel vm14, $0x301, v1  }
0xee: {  	[sflag:s30] =	ssyncset.done $0x0  }
0xef: {  	[sflag:s30] =	ssyncadd.s32 $0xFFFFFC00  }
0xf0: {  	v2 =	vld.idx.msk [tilespmem:v2+s3+$0x0], $0xffff;
	_ =	sdelay $0x1  }
0xf1: {  	v1 =	vld.idx.msk [tilespmem:v1+s3+$0x0], $0xffff;
	_ =	sdelay $0x2  }
0xf2: {  	v2 =	vadd.f32 $1.000000050e-03, v2;
	_ =	sdelay $0x1  }
0xf3: {  	v1 =	vsub.f32 v2, v1;
	_ =	sdelay $0x1  }
0xf4: {  	vm15 =	vmmov $0x7f;
	v1 =	vmax.f32 v1, $0.0e+00  }
0xf5: {  	v1 =	vnsel vm15, $0x0, v1  }
0xf6: {  	(xrf2) =	vadd.scan.msk.f32 $0xffff, v1;
	_ =	sdelay $0x9  }
0xf7: {  	v1, _, _ =	vpop (xrf2)  }
0xf8: {  	v1 =	vbroadcast v1, $0xF;
	_ =	sdelay $0x1  }
0xf9: {  	v0 =	vmul.f32 v1, v0;
	_ =	sdelay $0x1  }
.Ltmp1:
0xfa: {  	s31 =	simm.s32 $0x0;
	[tilespmem:$0x880] =	vst v0;
	(pc) =	sbr.rel .LBB2_4-.Ltmp1, $4  }
0xfb: {  	[hbm4b:s1+s31] =	stream.linear.scatter [tilespmem:s4], [sflag:$0x2], $0x10, $0x38;
	[tilespmem:$0xD80] =	vst v63  }
0xfc: {  	_ =	swait.ge [sflag:s30], $0x10  }
0xfd: {  	[sflag:s30] =	ssyncset.done $0x0  }
0xfe: {  	[sflag:s30] =	ssyncadd.s32 $0xFFFFFFF0  }
.LBB2_1:
0xff: {  	s1 =	sadd.s32 s4, s5;
	s2 =	simm.s32 $0x880  }
0x100: {  	[spmem:s1] =	stream.linear.scatter [tilespmem:s2], [sflag:$0x2], $0x8, $0x38;
	[tilespmem:$0xD80] =	vst v63  }
0x101: {  	_ =	swait.ge [sflag:s3], $0x8  }
0x102: {  	[sflag:s3] =	ssyncset.done $0x0  }
0x103: {  	[sflag:s3] =	ssyncadd.s32 $0xFFFFFFF8  }
0x104: {  	[bflag:$0x0] =	sbarrier.arrive $0xFFFF  }
0x105: {  	[bflag:$0x0] =	sbarrier.arrive $0xFFFF  }
.LBB2_4:
0x106: {  	_ =	sfence.sel $0x180000  }
0x107: {  	[bflag:$0x0] =	sbarrier.arrive $0xFFFF  }
0x108: {  	_ =	strace $0x90000047  }
0x109: {  	s0 =	sadd.s32 @!p0 $0x100000, s0;
	[bflag:$0x2] =	sbarrier.arrive $0xFFFF  }
0x10a: {  	[sflag:s0] =	ssyncadd.tile.s32 @!p0 $0x1;
	_ =	shalt  }
.Lfunc_end2:
_tile_overlayer_lowered:
.L_overlay_start_2:
0x10b: {  	(tag) =	ssettag $0x2  }
0x10c: {  	s0 =	rddreg [dreg:$0x0];
	s2 =	stileid.u32  }
0x10d: {  	s1 =	rddreg [dreg:$0x1];
	p0 =	sne.s32 s2, $0x0  }
0x10e: {  	s3 =	rddreg [dreg:$0x2];
	[bflag:$0x3] =	sbarrier.arrive $0xFFFF;
	s2 =	simm.s32 @!p0 $0x1C02  }
0x10f: {  	[timem:s3], [sflag:s2] =	dma.local @!p0 [hbm:s0], s1  }
0x110: {  	s0 =	simm.s32 @!p0 $0x2  }
0x111: {  	_ =	swait.ge @!p0 [sflag:s0], s1  }
0x112: {  	s1 =	ssub.s32 @!p0 $0x0, s1;
	[sflag:s0] =	ssyncset.done @!p0 $0x0  }
0x113: {  	[sflag:s0] =	ssyncadd.s32 @!p0 s1  }
0x114: {  	[bflag:$0x3] =	sbarrier.arrive $0xFFFF  }
0x115: {  	_ =	shalt  }

</sc_bundles>
